<compile_context>
chip_gen: v7x
topology: tpu7x:2x2x1
jax: 0.10.2.dev20260603
libtpu: 0.0.44.dev20260713+nightly
codegen_flags: <defaults>
</compile_context>

<pallas_src>
import dataclasses

import numpy as np

import jax
from jax import lax
import jax.numpy as jnp
from jax.experimental import pallas as pl
from jax.experimental.pallas import tpu as pltpu
from jax.experimental.pallas import tpu_sc as plsc

D_MODEL = 1024
MAX_LEN = 2048
TILE = 16
NW = 32
L = 16


def _pe_const(max_len, d_model):
    pos = np.arange(0, max_len, dtype=np.float64)[:, None]
    div = np.exp(np.arange(0, d_model, 2, dtype=np.float64) * (-np.log(10000.0) / d_model))
    pe = np.zeros((max_len, d_model), dtype=np.float64)
    pe[:, 0::2] = np.sin(pos * div)
    pe[:, 1::2] = np.cos(pos * div)
    return pe.astype(np.float32)


def kernel(x, crisis_flags, crisis_table):
    B, S, D = x.shape
    n_rows = B * S
    tiles_per_w = n_rows // (NW * TILE)
    tiles_per_batch = S // TILE
    x2d = x.reshape(n_rows, D)
    fexp = jnp.broadcast_to(
        jnp.clip(crisis_flags.astype(jnp.int32), 0, 1)
        .astype(jnp.float32).reshape(n_rows, 1), (n_rows, L))
    pe = jnp.asarray(_pe_const(MAX_LEN, D_MODEL)[:S])
    mesh = plsc.VectorSubcoreMesh(core_axis_name="c", subcore_axis_name="s")

    @jax.jit
    def run(x2d, fexp, tab, pe):
        cp = pltpu.CompilerParams()
        if "needs_layout_passes" in pltpu.CompilerParams.__dataclass_fields__:
            cp = dataclasses.replace(cp, needs_layout_passes=False)

        @pl.kernel(
            out_type=jax.ShapeDtypeStruct((n_rows, D), jnp.float32),
            mesh=mesh,
            compiler_params=cp,
            scratch_types=[
                pltpu.VMEM((2, D), jnp.float32),
                pltpu.VMEM((2, D), jnp.float32),
                pltpu.SemaphoreType.DMA,
            ],
        )
        def k(x_hbm, f_hbm, tab_hbm, pe_hbm, o_hbm, tabv, addv, sem):
            pltpu.async_copy(tab_hbm, tabv, sem).wait()

            @pl.loop(0, D, step=L)
            def _(j):
                sl = pl.ds(j, L)
                addv[0, sl] = 0.3 * tabv[0, sl]
                addv[1, sl] = 0.3 * tabv[1, sl]

            def body(xv, fv, pev, ov):
                @pl.loop(0, TILE)
                def _(i):
                    fs = lax.reduce_max(fv[i, :], axes=(0,))

                    def row(a_row):
                        @pl.loop(0, D, step=L)
                        def _(j):
                            sl = pl.ds(j, L)
                            ov[i, sl] = xv[i, sl] + pev[i, sl] + addv[a_row, sl]

                    lax.cond(fs > 0.5, lambda: row(1), lambda: row(0))

            pltpu.emit_pipeline(
                body,
                grid=(NW, tiles_per_w),
                in_specs=[
                    pl.BlockSpec((TILE, D),
                                 index_map=lambda w, t: (w * tiles_per_w + t, 0)),
                    pl.BlockSpec((TILE, L),
                                 index_map=lambda w, t: (w * tiles_per_w + t, 0)),
                    pl.BlockSpec((TILE, D),
                                 index_map=lambda w, t: ((w * tiles_per_w + t) % tiles_per_batch, 0)),
                ],
                out_specs=[
                    pl.BlockSpec((TILE, D),
                                 index_map=lambda w, t: (w * tiles_per_w + t, 0)),
                ],
                core_axis_name=("c", "s"),
                dimension_semantics=(pltpu.PARALLEL, pltpu.PARALLEL),
            )(x_hbm, f_hbm, pe_hbm, o_hbm)

        return k(x2d, fexp, tab, pe)

    return run(x2d, fexp, crisis_table, pe).reshape(B, S, D)

# --- scband reference (transcript-rebuilt; emitter-appended) ---
"""Pipeline reference for scband-macro-calendar-positional-encoding-43490838840067 (READ-ONLY COPY).

The authoritative reference and input builder live on the scoring server;
editing this copy changes nothing except your own understanding.
"""

import jax, jax.numpy as jnp
import numpy as np

D_MODEL = 1024
MAX_LEN = 2048


def make_pe(max_len, d_model):
    pos = np.arange(0, max_len, dtype=np.float64)[:, None]
    div = np.exp(np.arange(0, d_model, 2, dtype=np.float64) * (-np.log(10000.0) / d_model))
    pe = np.zeros((max_len, d_model), dtype=np.float64)
    pe[:, 0::2] = np.sin(pos * div)
    pe[:, 1::2] = np.cos(pos * div)
    return jnp.asarray(pe, dtype=jnp.float32)


def setup_inputs(seed: int = 0) -> dict:
    key = jax.random.key(seed)
    k1, k2, k3 = jax.random.split(key, 3)
    x = jax.random.normal(k1, (4, 2048, D_MODEL), dtype=jnp.float32)
    crisis_flags = jax.random.randint(k2, (4, 2048), 0, 2, dtype=jnp.int64)
    # learned crisis embedding table (nn.Embedding(2, d_model)) ~ N(0,1) init
    crisis_table = jax.random.normal(k3, (2, D_MODEL), dtype=jnp.float32)
    return {"x": x, "crisis_flags": crisis_flags, "crisis_table": crisis_table}


def reference(x, crisis_flags, crisis_table):
    seq_len = x.shape[1]
    pe = make_pe(MAX_LEN, D_MODEL)
    x = x + pe[:seq_len][None, :, :]
    crisis_idx = jnp.clip(crisis_flags.astype(jnp.int32), 0, 1)
    crisis_emb = jnp.take(crisis_table, crisis_idx, axis=0)
    x = x + crisis_emb * 0.3
    # dropout p=0.0 / eval mode -> identity
    return x

if __name__ == "__main__":
    import jax
    _d = setup_inputs()
    print(jax.jit(kernel)(*tuple(_d.values())))

</pallas_src>

<mosaic_0001>
#map = affine_map<(d0, d1) -> (0, 0)>
module attributes {stable_mosaic.version = 14 : i64} {
  func.func @k(%arg0: i32, %arg1: i32, %arg2: memref<8192x1024xf32, #tpu.memory_space<hbm>>, %arg3: memref<8192x16xf32, #tpu.memory_space<hbm>>, %arg4: memref<2x1024xf32, #tpu.memory_space<hbm>>, %arg5: memref<2048x1024xf32, #tpu.memory_space<hbm>>, %arg6: memref<8192x1024xf32, #tpu.memory_space<hbm>>, %arg7: memref<2x1024xf32, #tpu.memory_space<vmem>>, %arg8: memref<2x1024xf32, #tpu.memory_space<vmem>>, %arg9: memref<!tpu.dma_semaphore, #tpu.memory_space<semaphore_mem>>) attributes {dimension_semantics = [#tpu.dimension_semantics<core_parallel>, #tpu.dimension_semantics<subcore_parallel>], iteration_bounds = array<i64: 2, 16>, scalar_prefetch = 0 : i64, scratch_operands = 3 : i64, tpu.core_type = #tpu.core_type<sc_vector_subcore>, window_params = [{transform_indices = #map}, {transform_indices = #map}, {transform_indices = #map}, {transform_indices = #map}, {transform_indices = #map}]} {
    tpu.enqueue_dma source(%arg4 : memref<2x1024xf32, #tpu.memory_space<hbm>>) target(%arg7 : memref<2x1024xf32, #tpu.memory_space<vmem>>) target_semaphore(%arg9 : memref<!tpu.dma_semaphore, #tpu.memory_space<semaphore_mem>>)
    tpu.wait_dma2 semaphore(%arg9 : memref<!tpu.dma_semaphore, #tpu.memory_space<semaphore_mem>>) src(%arg4 : memref<2x1024xf32, #tpu.memory_space<hbm>>) dst(%arg7 : memref<2x1024xf32, #tpu.memory_space<vmem>>)
    %scan3A = arith.constant 0 : i32
    %scan3A_0 = arith.constant 64 : i32
    %scan3A_1 = arith.addi %scan3A, %scan3A_0 : i32
    %scan3A_2 = arith.constant 1 : i32
    scf.for %scan3A_11 = %scan3A to %scan3A_1 step %scan3A_2  : i32 {
      %mul3A_12 = arith.constant 16 : i32
      %mul3A_13 = arith.muli %scan3A_11, %mul3A_12 : i32
      %add3A_14 = arith.constant 0 : i32
      %add3A_15 = arith.addi %add3A_14, %mul3A_13 : i32
      %get3A = arith.constant 0 : i32
      %get3A_16 = arith.index_cast %get3A : i32 to index
      %get3A_17 = arith.index_cast %add3A_15 : i32 to index
      %get3A_18 = tpu.vector_load %arg7[%get3A_16, %get3A_17] {strides = array<i32>} : memref<2x1024xf32, #tpu.memory_space<vmem>>, vector<16xf32>,
      %mul3A_19 = arith.constant 3.000000e-01 : f32
      %mul3A_20 = vector.broadcast %mul3A_19 : f32 to vector<16xf32>
      %mul3A_21 = arith.mulf %mul3A_20, %get3A_18 : vector<16xf32>
      %swap3A = arith.constant 0 : i32
      %swap3A_22 = arith.index_cast %swap3A : i32 to index
      %swap3A_23 = arith.index_cast %add3A_15 : i32 to index
      %swap3A_24 = tpu.vector_load %arg8[%swap3A_22, %swap3A_23] {strides = array<i32>} : memref<2x1024xf32, #tpu.memory_space<vmem>>, vector<16xf32>,
      tpu.vector_store %arg8[%swap3A_22, %swap3A_23], %mul3A_21 {strides = array<i32>} : memref<2x1024xf32, #tpu.memory_space<vmem>>, vector<16xf32>,
      %get3A_25 = arith.constant 1 : i32
      %get3A_26 = arith.index_cast %get3A_25 : i32 to index
      %get3A_27 = arith.index_cast %add3A_15 : i32 to index
      %get3A_28 = tpu.vector_load %arg7[%get3A_26, %get3A_27] {strides = array<i32>} : memref<2x1024xf32, #tpu.memory_space<vmem>>, vector<16xf32>,
      %mul3A_29 = arith.constant 3.000000e-01 : f32
      %mul3A_30 = vector.broadcast %mul3A_29 : f32 to vector<16xf32>
      %mul3A_31 = arith.mulf %mul3A_30, %get3A_28 : vector<16xf32>
      %swap3A_32 = arith.constant 1 : i32
      %swap3A_33 = arith.index_cast %swap3A_32 : i32 to index
      %swap3A_34 = arith.index_cast %add3A_15 : i32 to index
      %swap3A_35 = tpu.vector_load %arg8[%swap3A_33, %swap3A_34] {strides = array<i32>} : memref<2x1024xf32, #tpu.memory_space<vmem>>, vector<16xf32>,
      tpu.vector_store %arg8[%swap3A_33, %swap3A_34], %mul3A_31 {strides = array<i32>} : memref<2x1024xf32, #tpu.memory_space<vmem>>, vector<16xf32>,
    }
    %scan3A_3 = arith.constant 64 : i32
    %mul3A = arith.constant 1 : i32
    %mul3A_4 = arith.muli %arg1, %mul3A : i32
    %add3A = arith.constant 0 : i32
    %add3A_5 = arith.addi %add3A, %mul3A_4 : i32
    %mul3A_6 = arith.constant 16 : i32
    %mul3A_7 = arith.muli %arg0, %mul3A_6 : i32
    %add3A_8 = arith.addi %add3A_5, %mul3A_7 : i32
    %mul3A_9 = arith.constant 1 : i32
    %mul3A_10 = arith.muli %add3A_8, %mul3A_9 : i32
    "tpu.region"() ({
      %run_scoped3A = memref.alloca() : memref<2x16x1024xf32, #tpu.memory_space<vmem>>
      %run_scoped3A_11 = tpu.sem_alloc : memref<2x!tpu.dma_semaphore, #tpu.memory_space<semaphore_mem>>
      %run_scoped3A_12 = memref.alloca() : memref<2x16x16xf32, #tpu.memory_space<vmem>>
      %run_scoped3A_13 = tpu.sem_alloc : memref<2x!tpu.dma_semaphore, #tpu.memory_space<semaphore_mem>>
      %run_scoped3A_14 = memref.alloca() : memref<2x16x1024xf32, #tpu.memory_space<vmem>>
      %run_scoped3A_15 = tpu.sem_alloc : memref<2x!tpu.dma_semaphore, #tpu.memory_space<semaphore_mem>>
      %run_scoped3A_16 = memref.alloca() : memref<2x16x1024xf32, #tpu.memory_space<vmem>>
      %run_scoped3A_17 = tpu.sem_alloc : memref<2x!tpu.dma_semaphore, #tpu.memory_space<semaphore_mem>>
      %add3A_18 = arith.constant 0 : i32
      %add3A_19 = arith.addi %add3A_18, %mul3A_10 : i32
      %select_n3A = arith.constant true
      %select_n3A_20 = arith.constant 0 : i32
      %select_n3A_21 = arith.constant -1 : i32
      %select_n3A_22 = arith.select %select_n3A, %select_n3A_21, %select_n3A_20 : i32
      %eq3A = arith.constant -1 : i32
      %eq3A_23 = arith.cmpi eq, %select_n3A_22, %eq3A : i32
      %select_n3A_24 = arith.constant 15 : i32
      %select_n3A_25 = arith.select %eq3A_23, %select_n3A_24, %select_n3A_22 : i32
      %select_n3A_26 = arith.constant 0 : i32
      %select_n3A_27 = arith.constant -1 : i32
      %select_n3A_28 = arith.select %eq3A_23, %select_n3A_27, %select_n3A_26 : i32
      %eq3A_29 = arith.constant -1 : i32
      %eq3A_30 = arith.cmpi eq, %select_n3A_28, %eq3A_29 : i32
      %select_n3A_31 = arith.constant 0 : i32
      %select_n3A_32 = arith.select %eq3A_30, %select_n3A_31, %select_n3A_28 : i32
      %add3A_33 = arith.constant 0 : i32
      %add3A_34 = arith.addi %add3A_33, %mul3A_10 : i32
      %add3A_35 = arith.constant 0 : i32
      %add3A_36 = arith.addi %select_n3A_25, %add3A_35 : i32
      %select_n3A_37 = arith.constant true
      %select_n3A_38 = arith.constant 0 : i32
      %select_n3A_39 = arith.constant 1 : i32
      %select_n3A_40 = arith.select %select_n3A_37, %select_n3A_39, %select_n3A_38 : i32
      %eq3A_41 = arith.constant 16 : i32
      %eq3A_42 = arith.cmpi eq, %select_n3A_40, %eq3A_41 : i32
      %select_n3A_43 = arith.constant 0 : i32
      %select_n3A_44 = arith.select %eq3A_42, %select_n3A_43, %select_n3A_40 : i32
      %select_n3A_45 = arith.constant 0 : i32
      %select_n3A_46 = arith.constant 1 : i32
      %select_n3A_47 = arith.select %eq3A_42, %select_n3A_46, %select_n3A_45 : i32
      %eq3A_48 = arith.constant 1 : i32
      %eq3A_49 = arith.cmpi eq, %select_n3A_47, %eq3A_48 : i32
      %select_n3A_50 = arith.constant 0 : i32
      %select_n3A_51 = arith.select %eq3A_49, %select_n3A_50, %select_n3A_47 : i32
      %add3A_52 = arith.constant 0 : i32
      %add3A_53 = arith.addi %add3A_52, %mul3A_10 : i32
      %add3A_54 = arith.constant 0 : i32
      %add3A_55 = arith.addi %select_n3A_44, %add3A_54 : i32
      %add3A_56 = arith.constant 1 : i32
      %add3A_57 = arith.addi %select_n3A_44, %add3A_56 : i32
      %select_n3A_58 = arith.constant true
      %select_n3A_59 = arith.select %select_n3A_58, %add3A_57, %select_n3A_44 : i32
      %eq3A_60 = arith.constant 16 : i32
      %eq3A_61 = arith.cmpi eq, %select_n3A_59, %eq3A_60 : i32
      %select_n3A_62 = arith.constant 0 : i32
      %select_n3A_63 = arith.select %eq3A_61, %select_n3A_62, %select_n3A_59 : i32
      %select_n3A_64 = arith.constant 0 : i32
      %select_n3A_65 = arith.constant 1 : i32
      %select_n3A_66 = arith.select %eq3A_61, %select_n3A_65, %select_n3A_64 : i32
      %eq3A_67 = arith.constant 1 : i32
      %eq3A_68 = arith.cmpi eq, %select_n3A_66, %eq3A_67 : i32
      %select_n3A_69 = arith.constant 0 : i32
      %select_n3A_70 = arith.select %eq3A_68, %select_n3A_69, %select_n3A_66 : i32
      %add3A_71 = arith.constant 0 : i32
      %add3A_72 = arith.addi %add3A_71, %mul3A_10 : i32
      %add3A_73 = arith.constant 0 : i32
      %add3A_74 = arith.addi %select_n3A_63, %add3A_73 : i32
      "tpu.trace_start"() <{level = 10 : i32, message = "ep_initialize_0"}> : () -> ()
      %rem3A = arith.constant 0 : i32
      %rem3A_75 = arith.constant 2 : i32
      %rem3A_76 = arith.remui %rem3A, %rem3A_75 : i32
      %mul3A_77 = arith.constant 16 : i32
      %mul3A_78 = arith.muli %add3A_19, %mul3A_77 : i32
      %add3A_79 = arith.constant 0 : i32
      %add3A_80 = arith.addi %mul3A_78, %add3A_79 : i32
      %mul3A_81 = arith.constant 16 : i32
      %mul3A_82 = arith.muli %mul3A_81, %add3A_80 : i32
      %dma_start3A = arith.constant 0 : i32
      %dma_start3A_83 = arith.constant 0 : i32
      %dma_start3A_84 = tpu.memref_slice %run_scoped3A[%rem3A_76, %dma_start3A, %dma_start3A_83] : memref<2x16x1024xf32, #tpu.memory_space<vmem>> -> memref<1x16x1024xf32, #tpu.memory_space<vmem>>
      %dma_start3A_85 = tpu.memref_squeeze %dma_start3A_84 : memref<1x16x1024xf32, #tpu.memory_space<vmem>> -> memref<16x1024xf32, #tpu.memory_space<vmem>>
      %dma_start3A_86 = arith.constant 0 : i32
      %dma_start3A_87 = tpu.memref_slice %arg2[%mul3A_82, %dma_start3A_86] : memref<8192x1024xf32, #tpu.memory_space<hbm>> -> memref<16x1024xf32, #tpu.memory_space<hbm>>
      %dma_start3A_88 = tpu.memref_slice %run_scoped3A_11[%rem3A_76] : memref<2x!tpu.dma_semaphore, #tpu.memory_space<semaphore_mem>> -> memref<1x!tpu.dma_semaphore, #tpu.memory_space<semaphore_mem>>
      %dma_start3A_89 = tpu.memref_squeeze %dma_start3A_88 : memref<1x!tpu.dma_semaphore, #tpu.memory_space<semaphore_mem>> -> memref<!tpu.dma_semaphore, #tpu.memory_space<semaphore_mem>>
      %dma_start3A_90 = arith.constant 0 : i32
      %dma_start3A_91 = arith.constant 0 : i32
      %dma_start3A_92 = tpu.memref_slice %run_scoped3A[%rem3A_76, %dma_start3A_90, %dma_start3A_91] : memref<2x16x1024xf32, #tpu.memory_space<vmem>> -> memref<1x16x1024xf32, #tpu.memory_space<vmem>>
      %dma_start3A_93 = tpu.memref_squeeze %dma_start3A_92 : memref<1x16x1024xf32, #tpu.memory_space<vmem>> -> memref<16x1024xf32, #tpu.memory_space<vmem>>
      %dma_start3A_94 = arith.constant 0 : i32
      %dma_start3A_95 = tpu.memref_slice %arg2[%mul3A_82, %dma_start3A_94] : memref<8192x1024xf32, #tpu.memory_space<hbm>> -> memref<16x1024xf32, #tpu.memory_space<hbm>>
      tpu.enqueue_dma source(%dma_start3A_95 : memref<16x1024xf32, #tpu.memory_space<hbm>>) target(%dma_start3A_93 : memref<16x1024xf32, #tpu.memory_space<vmem>>) target_semaphore(%dma_start3A_89 : memref<!tpu.dma_semaphore, #tpu.memory_space<semaphore_mem>>)
      %add3A_96 = arith.constant 0 : i32
      %add3A_97 = arith.constant 1 : i32
      %add3A_98 = arith.addi %add3A_96, %add3A_97 : i32
      %select_n3A_99 = arith.constant true
      %select_n3A_100 = arith.constant 0 : i32
      %select_n3A_101 = arith.select %select_n3A_99, %add3A_98, %select_n3A_100 : i32
      %rem3A_102 = arith.constant 0 : i32
      %rem3A_103 = arith.constant 2 : i32
      %rem3A_104 = arith.remui %rem3A_102, %rem3A_103 : i32
      %mul3A_105 = arith.constant 16 : i32
      %mul3A_106 = arith.muli %add3A_19, %mul3A_105 : i32
      %add3A_107 = arith.constant 0 : i32
      %add3A_108 = arith.addi %mul3A_106, %add3A_107 : i32
      %mul3A_109 = arith.constant 16 : i32
      %mul3A_110 = arith.muli %mul3A_109, %add3A_108 : i32
      %dma_start3A_111 = arith.constant 0 : i32
      %dma_start3A_112 = arith.constant 0 : i32
      %dma_start3A_113 = tpu.memref_slice %run_scoped3A_12[%rem3A_104, %dma_start3A_111, %dma_start3A_112] : memref<2x16x16xf32, #tpu.memory_space<vmem>> -> memref<1x16x16xf32, #tpu.memory_space<vmem>>
      %dma_start3A_114 = tpu.memref_squeeze %dma_start3A_113 : memref<1x16x16xf32, #tpu.memory_space<vmem>> -> memref<16x16xf32, #tpu.memory_space<vmem>>
      %dma_start3A_115 = arith.constant 0 : i32
      %dma_start3A_116 = tpu.memref_slice %arg3[%mul3A_110, %dma_start3A_115] : memref<8192x16xf32, #tpu.memory_space<hbm>> -> memref<16x16xf32, #tpu.memory_space<hbm>>
      %dma_start3A_117 = tpu.memref_slice %run_scoped3A_13[%rem3A_104] : memref<2x!tpu.dma_semaphore, #tpu.memory_space<semaphore_mem>> -> memref<1x!tpu.dma_semaphore, #tpu.memory_space<semaphore_mem>>
      %dma_start3A_118 = tpu.memref_squeeze %dma_start3A_117 : memref<1x!tpu.dma_semaphore, #tpu.memory_space<semaphore_mem>> -> memref<!tpu.dma_semaphore, #tpu.memory_space<semaphore_mem>>
      %dma_start3A_119 = arith.constant 0 : i32
      %dma_start3A_120 = arith.constant 0 : i32
      %dma_start3A_121 = tpu.memref_slice %run_scoped3A_12[%rem3A_104, %dma_start3A_119, %dma_start3A_120] : memref<2x16x16xf32, #tpu.memory_space<vmem>> -> memref<1x16x16xf32, #tpu.memory_space<vmem>>
      %dma_start3A_122 = tpu.memref_squeeze %dma_start3A_121 : memref<1x16x16xf32, #tpu.memory_space<vmem>> -> memref<16x16xf32, #tpu.memory_space<vmem>>
      %dma_start3A_123 = arith.constant 0 : i32
      %dma_start3A_124 = tpu.memref_slice %arg3[%mul3A_110, %dma_start3A_123] : memref<8192x16xf32, #tpu.memory_space<hbm>> -> memref<16x16xf32, #tpu.memory_space<hbm>>
      tpu.enqueue_dma source(%dma_start3A_124 : memref<16x16xf32, #tpu.memory_space<hbm>>) target(%dma_start3A_122 : memref<16x16xf32, #tpu.memory_space<vmem>>) target_semaphore(%dma_start3A_118 : memref<!tpu.dma_semaphore, #tpu.memory_space<semaphore_mem>>)
      %add3A_125 = arith.constant 0 : i32
      %add3A_126 = arith.constant 1 : i32
      %add3A_127 = arith.addi %add3A_125, %add3A_126 : i32
      %select_n3A_128 = arith.constant true
      %select_n3A_129 = arith.constant 0 : i32
      %select_n3A_130 = arith.select %select_n3A_128, %add3A_127, %select_n3A_129 : i32
      %rem3A_131 = arith.constant 0 : i32
      %rem3A_132 = arith.constant 2 : i32
      %rem3A_133 = arith.remui %rem3A_131, %rem3A_132 : i32
      %mul3A_134 = arith.constant 16 : i32
      %mul3A_135 = arith.muli %add3A_19, %mul3A_134 : i32
      %add3A_136 = arith.constant 0 : i32
      %add3A_137 = arith.addi %mul3A_135, %add3A_136 : i32
      %jit3A = arith.constant 128 : i32
      %eq3A_138 = arith.constant 0 : i32
      %eq3A_139 = arith.cmpi eq, %jit3A, %eq3A_138 : i32
      %jit3A_140 = arith.constant 1 : i32
      %select_n3A_141 = arith.select %eq3A_139, %jit3A_140, %jit3A : i32
      %rem3A_142 = arith.remsi %add3A_137, %select_n3A_141 : i32
      %ne3A = arith.constant 0 : i32
      %ne3A_143 = arith.cmpi ne, %rem3A_142, %ne3A : i32
      %lt3A = arith.constant 0 : i32
      %lt3A_144 = arith.cmpi slt, %rem3A_142, %lt3A : i32
      %lt3A_145 = arith.constant 0 : i32
      %lt3A_146 = arith.cmpi slt, %select_n3A_141, %lt3A_145 : i32
      %ne3A_147 = arith.xori %lt3A_144, %lt3A_146 : i1
      %and3A = arith.andi %ne3A_147, %ne3A_143 : i1
      %add3A_148 = arith.addi %rem3A_142, %select_n3A_141 : i32
      %select_n3A_149 = arith.select %and3A, %add3A_148, %rem3A_142 : i32
      %mul3A_150 = arith.constant 16 : i32
      %mul3A_151 = arith.muli %mul3A_150, %select_n3A_149 : i32
      %dma_start3A_152 = arith.constant 0 : i32
      %dma_start3A_153 = arith.constant 0 : i32
      %dma_start3A_154 = tpu.memref_slice %run_scoped3A_14[%rem3A_133, %dma_start3A_152, %dma_start3A_153] : memref<2x16x1024xf32, #tpu.memory_space<vmem>> -> memref<1x16x1024xf32, #tpu.memory_space<vmem>>
      %dma_start3A_155 = tpu.memref_squeeze %dma_start3A_154 : memref<1x16x1024xf32, #tpu.memory_space<vmem>> -> memref<16x1024xf32, #tpu.memory_space<vmem>>
      %dma_start3A_156 = arith.constant 0 : i32
      %dma_start3A_157 = tpu.memref_slice %arg5[%mul3A_151, %dma_start3A_156] : memref<2048x1024xf32, #tpu.memory_space<hbm>> -> memref<16x1024xf32, #tpu.memory_space<hbm>>
      %dma_start3A_158 = tpu.memref_slice %run_scoped3A_15[%rem3A_133] : memref<2x!tpu.dma_semaphore, #tpu.memory_space<semaphore_mem>> -> memref<1x!tpu.dma_semaphore, #tpu.memory_space<semaphore_mem>>
      %dma_start3A_159 = tpu.memref_squeeze %dma_start3A_158 : memref<1x!tpu.dma_semaphore, #tpu.memory_space<semaphore_mem>> -> memref<!tpu.dma_semaphore, #tpu.memory_space<semaphore_mem>>
      %dma_start3A_160 = arith.constant 0 : i32
      %dma_start3A_161 = arith.constant 0 : i32
      %dma_start3A_162 = tpu.memref_slice %run_scoped3A_14[%rem3A_133, %dma_start3A_160, %dma_start3A_161] : memref<2x16x1024xf32, #tpu.memory_space<vmem>> -> memref<1x16x1024xf32, #tpu.memory_space<vmem>>
      %dma_start3A_163 = tpu.memref_squeeze %dma_start3A_162 : memref<1x16x1024xf32, #tpu.memory_space<vmem>> -> memref<16x1024xf32, #tpu.memory_space<vmem>>
      %dma_start3A_164 = arith.constant 0 : i32
      %dma_start3A_165 = tpu.memref_slice %arg5[%mul3A_151, %dma_start3A_164] : memref<2048x1024xf32, #tpu.memory_space<hbm>> -> memref<16x1024xf32, #tpu.memory_space<hbm>>
      tpu.enqueue_dma source(%dma_start3A_165 : memref<16x1024xf32, #tpu.memory_space<hbm>>) target(%dma_start3A_163 : memref<16x1024xf32, #tpu.memory_space<vmem>>) target_semaphore(%dma_start3A_159 : memref<!tpu.dma_semaphore, #tpu.memory_space<semaphore_mem>>)
      %add3A_166 = arith.constant 0 : i32
      %add3A_167 = arith.constant 1 : i32
      %add3A_168 = arith.addi %add3A_166, %add3A_167 : i32
      %select_n3A_169 = arith.constant true
      %select_n3A_170 = arith.constant 0 : i32
      %select_n3A_171 = arith.select %select_n3A_169, %add3A_168, %select_n3A_170 : i32
      "tpu.trace_stop"() : () -> ()
      %scan3A_172 = arith.constant 0 : i32
      %scan3A_173 = arith.constant 0 : i32
      %scan3A_174 = arith.constant 0 : i32
      %scan3A_175 = arith.constant 0 : i32
      %scan3A_176 = arith.constant 0 : i32
      %scan3A_177 = arith.constant 0 : i32
      %scan3A_178 = arith.constant 0 : i32
      %scan3A_179 = arith.constant 0 : i32
      %scan3A_180 = arith.constant 16 : i32
      %scan3A_181 = arith.addi %scan3A_179, %scan3A_180 : i32
      %scan3A_182 = arith.constant 1 : i32
      %scan3A_183:10 = scf.for %scan3A_280 = %scan3A_179 to %scan3A_181 step %scan3A_182 iter_args(%scan3A_281 = %select_n3A_101, %scan3A_282 = %scan3A_172, %scan3A_283 = %select_n3A_130, %scan3A_284 = %scan3A_173, %scan3A_285 = %select_n3A_171, %scan3A_286 = %scan3A_174, %scan3A_287 = %scan3A_175, %scan3A_288 = %scan3A_176, %scan3A_289 = %scan3A_177, %scan3A_290 = %scan3A_178) -> (i32, i32, i32, i32, i32, i32, i32, i32, i32, i32)  : i32 {
        %eq3A_291 = arith.constant 0 : i32
        %eq3A_292 = arith.cmpi eq, %scan3A_280, %eq3A_291 : i32
        %eq3A_293 = arith.constant 15 : i32
        %eq3A_294 = arith.cmpi eq, %scan3A_280, %eq3A_293 : i32
        %add3A_295 = arith.constant 0 : i32
        %add3A_296 = arith.addi %add3A_295, %mul3A_10 : i32
        %add3A_297 = arith.constant 0 : i32
        %add3A_298 = arith.addi %scan3A_290, %add3A_297 : i32
        %sub3A_299 = arith.constant 1 : i32
        %sub3A_300 = arith.subi %scan3A_290, %sub3A_299 : i32
        %select_n3A_301 = arith.constant true
        %select_n3A_302 = arith.select %select_n3A_301, %sub3A_300, %scan3A_290 : i32
        %eq3A_303 = arith.constant -1 : i32
        %eq3A_304 = arith.cmpi eq, %select_n3A_302, %eq3A_303 : i32
        %select_n3A_305 = arith.constant 15 : i32
        %select_n3A_306 = arith.select %eq3A_304, %select_n3A_305, %select_n3A_302 : i32
        %select_n3A_307 = arith.constant 0 : i32
        %select_n3A_308 = arith.constant -1 : i32
        %select_n3A_309 = arith.select %eq3A_304, %select_n3A_308, %select_n3A_307 : i32
        %eq3A_310 = arith.constant -1 : i32
        %eq3A_311 = arith.cmpi eq, %select_n3A_309, %eq3A_310 : i32
        %select_n3A_312 = arith.constant 0 : i32
        %select_n3A_313 = arith.select %eq3A_311, %select_n3A_312, %select_n3A_309 : i32
        %add3A_314 = arith.constant 0 : i32
        %add3A_315 = arith.addi %add3A_314, %mul3A_10 : i32
        %add3A_316 = arith.constant 0 : i32
        %add3A_317 = arith.addi %select_n3A_306, %add3A_316 : i32
        %add3A_318 = arith.constant 1 : i32
        %add3A_319 = arith.addi %scan3A_290, %add3A_318 : i32
        %select_n3A_320 = arith.constant true
        %select_n3A_321 = arith.select %select_n3A_320, %add3A_319, %scan3A_290 : i32
        %eq3A_322 = arith.constant 16 : i32
        %eq3A_323 = arith.cmpi eq, %select_n3A_321, %eq3A_322 : i32
        %select_n3A_324 = arith.constant 0 : i32
        %select_n3A_325 = arith.select %eq3A_323, %select_n3A_324, %select_n3A_321 : i32
        %select_n3A_326 = arith.constant 0 : i32
        %select_n3A_327 = arith.constant 1 : i32
        %select_n3A_328 = arith.select %eq3A_323, %select_n3A_327, %select_n3A_326 : i32
        %eq3A_329 = arith.constant 1 : i32
        %eq3A_330 = arith.cmpi eq, %select_n3A_328, %eq3A_329 : i32
        %select_n3A_331 = arith.constant 0 : i32
        %select_n3A_332 = arith.select %eq3A_330, %select_n3A_331, %select_n3A_328 : i32
        %add3A_333 = arith.constant 0 : i32
        %add3A_334 = arith.addi %add3A_333, %mul3A_10 : i32
        %add3A_335 = arith.constant 0 : i32
        %add3A_336 = arith.addi %select_n3A_325, %add3A_335 : i32
        %add3A_337 = arith.constant 1 : i32
        %add3A_338 = arith.addi %select_n3A_325, %add3A_337 : i32
        %select_n3A_339 = arith.constant true
        %select_n3A_340 = arith.select %select_n3A_339, %add3A_338, %select_n3A_325 : i32
        %eq3A_341 = arith.constant 16 : i32
        %eq3A_342 = arith.cmpi eq, %select_n3A_340, %eq3A_341 : i32
        %select_n3A_343 = arith.constant 0 : i32
        %select_n3A_344 = arith.select %eq3A_342, %select_n3A_343, %select_n3A_340 : i32
        %select_n3A_345 = arith.constant 0 : i32
        %select_n3A_346 = arith.constant 1 : i32
        %select_n3A_347 = arith.select %eq3A_342, %select_n3A_346, %select_n3A_345 : i32
        %eq3A_348 = arith.constant 1 : i32
        %eq3A_349 = arith.cmpi eq, %select_n3A_347, %eq3A_348 : i32
        %select_n3A_350 = arith.constant 0 : i32
        %select_n3A_351 = arith.select %eq3A_349, %select_n3A_350, %select_n3A_347 : i32
        %add3A_352 = arith.constant 0 : i32
        %add3A_353 = arith.addi %add3A_352, %mul3A_10 : i32
        %add3A_354 = arith.constant 0 : i32
        %add3A_355 = arith.addi %select_n3A_344, %add3A_354 : i32
        %mul3A_356 = arith.constant 16 : i32
        %mul3A_357 = arith.muli %add3A_296, %mul3A_356 : i32
        %add3A_358 = arith.addi %mul3A_357, %add3A_298 : i32
        %mul3A_359 = arith.constant 16 : i32
        %mul3A_360 = arith.muli %add3A_334, %mul3A_359 : i32
        %add3A_361 = arith.addi %mul3A_360, %add3A_336 : i32
        %ne3A_362 = arith.cmpi ne, %add3A_358, %add3A_361 : i32
        %or3A = arith.constant false
        %or3A_363 = arith.ori %or3A, %ne3A_362 : i1
        %or3A_364 = arith.constant false
        %or3A_365 = arith.ori %or3A_363, %or3A_364 : i1
        %ge3A = arith.constant 15 : i32
        %ge3A_366 = arith.cmpi sge, %scan3A_280, %ge3A : i32
        %not3A = arith.constant true
        %not3A_367 = arith.xori %ge3A_366, %not3A : i1
        %and3A_368 = arith.andi %or3A_365, %not3A_367 : i1
        %convert_element_type3A = arith.extui %and3A_368 : i1 to i32
        %cond3A = arith.constant 0 : i32
        %cond3A_369 = arith.cmpi ne, %convert_element_type3A, %cond3A : i32
        scf.if %cond3A_369 {
          "tpu.trace_start"() <{level = 10 : i32, message = "ep_copy_in"}> : () -> ()
          %rem3A_883 = arith.constant 2 : i32
          %rem3A_884 = arith.remui %scan3A_281, %rem3A_883 : i32
          %mul3A_885 = arith.constant 16 : i32
          %mul3A_886 = arith.muli %add3A_334, %mul3A_885 : i32
          %add3A_887 = arith.addi %mul3A_886, %add3A_336 : i32
          %mul3A_888 = arith.constant 16 : i32
          %mul3A_889 = arith.muli %mul3A_888, %add3A_887 : i32
          %dma_start3A_890 = arith.constant 0 : i32
          %dma_start3A_891 = arith.constant 0 : i32
          %dma_start3A_892 = tpu.memref_slice %run_scoped3A[%rem3A_884, %dma_start3A_890, %dma_start3A_891] : memref<2x16x1024xf32, #tpu.memory_space<vmem>> -> memref<1x16x1024xf32, #tpu.memory_space<vmem>>
          %dma_start3A_893 = tpu.memref_squeeze %dma_start3A_892 : memref<1x16x1024xf32, #tpu.memory_space<vmem>> -> memref<16x1024xf32, #tpu.memory_space<vmem>>
          %dma_start3A_894 = arith.constant 0 : i32
          %dma_start3A_895 = tpu.memref_slice %arg2[%mul3A_889, %dma_start3A_894] : memref<8192x1024xf32, #tpu.memory_space<hbm>> -> memref<16x1024xf32, #tpu.memory_space<hbm>>
          %dma_start3A_896 = tpu.memref_slice %run_scoped3A_11[%rem3A_884] : memref<2x!tpu.dma_semaphore, #tpu.memory_space<semaphore_mem>> -> memref<1x!tpu.dma_semaphore, #tpu.memory_space<semaphore_mem>>
          %dma_start3A_897 = tpu.memref_squeeze %dma_start3A_896 : memref<1x!tpu.dma_semaphore, #tpu.memory_space<semaphore_mem>> -> memref<!tpu.dma_semaphore, #tpu.memory_space<semaphore_mem>>
          %dma_start3A_898 = arith.constant 0 : i32
          %dma_start3A_899 = arith.constant 0 : i32
          %dma_start3A_900 = tpu.memref_slice %run_scoped3A[%rem3A_884, %dma_start3A_898, %dma_start3A_899] : memref<2x16x1024xf32, #tpu.memory_space<vmem>> -> memref<1x16x1024xf32, #tpu.memory_space<vmem>>
          %dma_start3A_901 = tpu.memref_squeeze %dma_start3A_900 : memref<1x16x1024xf32, #tpu.memory_space<vmem>> -> memref<16x1024xf32, #tpu.memory_space<vmem>>
          %dma_start3A_902 = arith.constant 0 : i32
          %dma_start3A_903 = tpu.memref_slice %arg2[%mul3A_889, %dma_start3A_902] : memref<8192x1024xf32, #tpu.memory_space<hbm>> -> memref<16x1024xf32, #tpu.memory_space<hbm>>
          tpu.enqueue_dma source(%dma_start3A_903 : memref<16x1024xf32, #tpu.memory_space<hbm>>) target(%dma_start3A_901 : memref<16x1024xf32, #tpu.memory_space<vmem>>) target_semaphore(%dma_start3A_897 : memref<!tpu.dma_semaphore, #tpu.memory_space<semaphore_mem>>)
          "tpu.trace_stop"() : () -> ()
        } else {
        }
        %and3A_370 = arith.constant true
        %and3A_371 = arith.andi %and3A_368, %and3A_370 : i1
        %add3A_372 = arith.constant 1 : i32
        %add3A_373 = arith.addi %scan3A_281, %add3A_372 : i32
        %select_n3A_374 = arith.select %and3A_371, %add3A_373, %scan3A_281 : i32
        %mul3A_375 = arith.constant 16 : i32
        %mul3A_376 = arith.muli %add3A_296, %mul3A_375 : i32
        %add3A_377 = arith.addi %mul3A_376, %add3A_298 : i32
        %mul3A_378 = arith.constant 16 : i32
        %mul3A_379 = arith.muli %add3A_334, %mul3A_378 : i32
        %add3A_380 = arith.addi %mul3A_379, %add3A_336 : i32
        %ne3A_381 = arith.cmpi ne, %add3A_377, %add3A_380 : i32
        %or3A_382 = arith.constant false
        %or3A_383 = arith.ori %or3A_382, %ne3A_381 : i1
        %or3A_384 = arith.constant false
        %or3A_385 = arith.ori %or3A_383, %or3A_384 : i1
        %ge3A_386 = arith.constant 15 : i32
        %ge3A_387 = arith.cmpi sge, %scan3A_280, %ge3A_386 : i32
        %not3A_388 = arith.constant true
        %not3A_389 = arith.xori %ge3A_387, %not3A_388 : i1
        %and3A_390 = arith.andi %or3A_385, %not3A_389 : i1
        %convert_element_type3A_391 = arith.extui %and3A_390 : i1 to i32
        %cond3A_392 = arith.constant 0 : i32
        %cond3A_393 = arith.cmpi ne, %convert_element_type3A_391, %cond3A_392 : i32
        scf.if %cond3A_393 {
          "tpu.trace_start"() <{level = 10 : i32, message = "ep_copy_in"}> : () -> ()
          %rem3A_883 = arith.constant 2 : i32
          %rem3A_884 = arith.remui %scan3A_283, %rem3A_883 : i32
          %mul3A_885 = arith.constant 16 : i32
          %mul3A_886 = arith.muli %add3A_334, %mul3A_885 : i32
          %add3A_887 = arith.addi %mul3A_886, %add3A_336 : i32
          %mul3A_888 = arith.constant 16 : i32
          %mul3A_889 = arith.muli %mul3A_888, %add3A_887 : i32
          %dma_start3A_890 = arith.constant 0 : i32
          %dma_start3A_891 = arith.constant 0 : i32
          %dma_start3A_892 = tpu.memref_slice %run_scoped3A_12[%rem3A_884, %dma_start3A_890, %dma_start3A_891] : memref<2x16x16xf32, #tpu.memory_space<vmem>> -> memref<1x16x16xf32, #tpu.memory_space<vmem>>
          %dma_start3A_893 = tpu.memref_squeeze %dma_start3A_892 : memref<1x16x16xf32, #tpu.memory_space<vmem>> -> memref<16x16xf32, #tpu.memory_space<vmem>>
          %dma_start3A_894 = arith.constant 0 : i32
          %dma_start3A_895 = tpu.memref_slice %arg3[%mul3A_889, %dma_start3A_894] : memref<8192x16xf32, #tpu.memory_space<hbm>> -> memref<16x16xf32, #tpu.memory_space<hbm>>
          %dma_start3A_896 = tpu.memref_slice %run_scoped3A_13[%rem3A_884] : memref<2x!tpu.dma_semaphore, #tpu.memory_space<semaphore_mem>> -> memref<1x!tpu.dma_semaphore, #tpu.memory_space<semaphore_mem>>
          %dma_start3A_897 = tpu.memref_squeeze %dma_start3A_896 : memref<1x!tpu.dma_semaphore, #tpu.memory_space<semaphore_mem>> -> memref<!tpu.dma_semaphore, #tpu.memory_space<semaphore_mem>>
          %dma_start3A_898 = arith.constant 0 : i32
          %dma_start3A_899 = arith.constant 0 : i32
          %dma_start3A_900 = tpu.memref_slice %run_scoped3A_12[%rem3A_884, %dma_start3A_898, %dma_start3A_899] : memref<2x16x16xf32, #tpu.memory_space<vmem>> -> memref<1x16x16xf32, #tpu.memory_space<vmem>>
          %dma_start3A_901 = tpu.memref_squeeze %dma_start3A_900 : memref<1x16x16xf32, #tpu.memory_space<vmem>> -> memref<16x16xf32, #tpu.memory_space<vmem>>
          %dma_start3A_902 = arith.constant 0 : i32
          %dma_start3A_903 = tpu.memref_slice %arg3[%mul3A_889, %dma_start3A_902] : memref<8192x16xf32, #tpu.memory_space<hbm>> -> memref<16x16xf32, #tpu.memory_space<hbm>>
          tpu.enqueue_dma source(%dma_start3A_903 : memref<16x16xf32, #tpu.memory_space<hbm>>) target(%dma_start3A_901 : memref<16x16xf32, #tpu.memory_space<vmem>>) target_semaphore(%dma_start3A_897 : memref<!tpu.dma_semaphore, #tpu.memory_space<semaphore_mem>>)
          "tpu.trace_stop"() : () -> ()
        } else {
        }
        %and3A_394 = arith.constant true
        %and3A_395 = arith.andi %and3A_390, %and3A_394 : i1
        %add3A_396 = arith.constant 1 : i32
        %add3A_397 = arith.addi %scan3A_283, %add3A_396 : i32
        %select_n3A_398 = arith.select %and3A_395, %add3A_397, %scan3A_283 : i32
        %mul3A_399 = arith.constant 16 : i32
        %mul3A_400 = arith.muli %add3A_296, %mul3A_399 : i32
        %add3A_401 = arith.addi %mul3A_400, %add3A_298 : i32
        %jit3A_402 = arith.constant 128 : i32
        %eq3A_403 = arith.constant 0 : i32
        %eq3A_404 = arith.cmpi eq, %jit3A_402, %eq3A_403 : i32
        %jit3A_405 = arith.constant 1 : i32
        %select_n3A_406 = arith.select %eq3A_404, %jit3A_405, %jit3A_402 : i32
        %rem3A_407 = arith.remsi %add3A_401, %select_n3A_406 : i32
        %ne3A_408 = arith.constant 0 : i32
        %ne3A_409 = arith.cmpi ne, %rem3A_407, %ne3A_408 : i32
        %lt3A_410 = arith.constant 0 : i32
        %lt3A_411 = arith.cmpi slt, %rem3A_407, %lt3A_410 : i32
        %lt3A_412 = arith.constant 0 : i32
        %lt3A_413 = arith.cmpi slt, %select_n3A_406, %lt3A_412 : i32
        %ne3A_414 = arith.xori %lt3A_411, %lt3A_413 : i1
        %and3A_415 = arith.andi %ne3A_414, %ne3A_409 : i1
        %add3A_416 = arith.addi %rem3A_407, %select_n3A_406 : i32
        %select_n3A_417 = arith.select %and3A_415, %add3A_416, %rem3A_407 : i32
        %mul3A_418 = arith.constant 16 : i32
        %mul3A_419 = arith.muli %add3A_334, %mul3A_418 : i32
        %add3A_420 = arith.addi %mul3A_419, %add3A_336 : i32
        %jit3A_421 = arith.constant 128 : i32
        %eq3A_422 = arith.constant 0 : i32
        %eq3A_423 = arith.cmpi eq, %jit3A_421, %eq3A_422 : i32
        %jit3A_424 = arith.constant 1 : i32
        %select_n3A_425 = arith.select %eq3A_423, %jit3A_424, %jit3A_421 : i32
        %rem3A_426 = arith.remsi %add3A_420, %select_n3A_425 : i32
        %ne3A_427 = arith.constant 0 : i32
        %ne3A_428 = arith.cmpi ne, %rem3A_426, %ne3A_427 : i32
        %lt3A_429 = arith.constant 0 : i32
        %lt3A_430 = arith.cmpi slt, %rem3A_426, %lt3A_429 : i32
        %lt3A_431 = arith.constant 0 : i32
        %lt3A_432 = arith.cmpi slt, %select_n3A_425, %lt3A_431 : i32
        %ne3A_433 = arith.xori %lt3A_430, %lt3A_432 : i1
        %and3A_434 = arith.andi %ne3A_433, %ne3A_428 : i1
        %add3A_435 = arith.addi %rem3A_426, %select_n3A_425 : i32
        %select_n3A_436 = arith.select %and3A_434, %add3A_435, %rem3A_426 : i32
        %ne3A_437 = arith.cmpi ne, %select_n3A_417, %select_n3A_436 : i32
        %or3A_438 = arith.constant false
        %or3A_439 = arith.ori %or3A_438, %ne3A_437 : i1
        %or3A_440 = arith.constant false
        %or3A_441 = arith.ori %or3A_439, %or3A_440 : i1
        %ge3A_442 = arith.constant 15 : i32
        %ge3A_443 = arith.cmpi sge, %scan3A_280, %ge3A_442 : i32
        %not3A_444 = arith.constant true
        %not3A_445 = arith.xori %ge3A_443, %not3A_444 : i1
        %and3A_446 = arith.andi %or3A_441, %not3A_445 : i1
        %convert_element_type3A_447 = arith.extui %and3A_446 : i1 to i32
        %cond3A_448 = arith.constant 0 : i32
        %cond3A_449 = arith.cmpi ne, %convert_element_type3A_447, %cond3A_448 : i32
        scf.if %cond3A_449 {
          "tpu.trace_start"() <{level = 10 : i32, message = "ep_copy_in"}> : () -> ()
          %rem3A_883 = arith.constant 2 : i32
          %rem3A_884 = arith.remui %scan3A_285, %rem3A_883 : i32
          %mul3A_885 = arith.constant 16 : i32
          %mul3A_886 = arith.muli %add3A_334, %mul3A_885 : i32
          %add3A_887 = arith.addi %mul3A_886, %add3A_336 : i32
          %jit3A_888 = arith.constant 128 : i32
          %eq3A_889 = arith.constant 0 : i32
          %eq3A_890 = arith.cmpi eq, %jit3A_888, %eq3A_889 : i32
          %jit3A_891 = arith.constant 1 : i32
          %select_n3A_892 = arith.select %eq3A_890, %jit3A_891, %jit3A_888 : i32
          %rem3A_893 = arith.remsi %add3A_887, %select_n3A_892 : i32
          %ne3A_894 = arith.constant 0 : i32
          %ne3A_895 = arith.cmpi ne, %rem3A_893, %ne3A_894 : i32
          %lt3A_896 = arith.constant 0 : i32
          %lt3A_897 = arith.cmpi slt, %rem3A_893, %lt3A_896 : i32
          %lt3A_898 = arith.constant 0 : i32
          %lt3A_899 = arith.cmpi slt, %select_n3A_892, %lt3A_898 : i32
          %ne3A_900 = arith.xori %lt3A_897, %lt3A_899 : i1
          %and3A_901 = arith.andi %ne3A_900, %ne3A_895 : i1
          %add3A_902 = arith.addi %rem3A_893, %select_n3A_892 : i32
          %select_n3A_903 = arith.select %and3A_901, %add3A_902, %rem3A_893 : i32
          %mul3A_904 = arith.constant 16 : i32
          %mul3A_905 = arith.muli %mul3A_904, %select_n3A_903 : i32
          %dma_start3A_906 = arith.constant 0 : i32
          %dma_start3A_907 = arith.constant 0 : i32
          %dma_start3A_908 = tpu.memref_slice %run_scoped3A_14[%rem3A_884, %dma_start3A_906, %dma_start3A_907] : memref<2x16x1024xf32, #tpu.memory_space<vmem>> -> memref<1x16x1024xf32, #tpu.memory_space<vmem>>
          %dma_start3A_909 = tpu.memref_squeeze %dma_start3A_908 : memref<1x16x1024xf32, #tpu.memory_space<vmem>> -> memref<16x1024xf32, #tpu.memory_space<vmem>>
          %dma_start3A_910 = arith.constant 0 : i32
          %dma_start3A_911 = tpu.memref_slice %arg5[%mul3A_905, %dma_start3A_910] : memref<2048x1024xf32, #tpu.memory_space<hbm>> -> memref<16x1024xf32, #tpu.memory_space<hbm>>
          %dma_start3A_912 = tpu.memref_slice %run_scoped3A_15[%rem3A_884] : memref<2x!tpu.dma_semaphore, #tpu.memory_space<semaphore_mem>> -> memref<1x!tpu.dma_semaphore, #tpu.memory_space<semaphore_mem>>
          %dma_start3A_913 = tpu.memref_squeeze %dma_start3A_912 : memref<1x!tpu.dma_semaphore, #tpu.memory_space<semaphore_mem>> -> memref<!tpu.dma_semaphore, #tpu.memory_space<semaphore_mem>>
          %dma_start3A_914 = arith.constant 0 : i32
          %dma_start3A_915 = arith.constant 0 : i32
          %dma_start3A_916 = tpu.memref_slice %run_scoped3A_14[%rem3A_884, %dma_start3A_914, %dma_start3A_915] : memref<2x16x1024xf32, #tpu.memory_space<vmem>> -> memref<1x16x1024xf32, #tpu.memory_space<vmem>>
          %dma_start3A_917 = tpu.memref_squeeze %dma_start3A_916 : memref<1x16x1024xf32, #tpu.memory_space<vmem>> -> memref<16x1024xf32, #tpu.memory_space<vmem>>
          %dma_start3A_918 = arith.constant 0 : i32
          %dma_start3A_919 = tpu.memref_slice %arg5[%mul3A_905, %dma_start3A_918] : memref<2048x1024xf32, #tpu.memory_space<hbm>> -> memref<16x1024xf32, #tpu.memory_space<hbm>>
          tpu.enqueue_dma source(%dma_start3A_919 : memref<16x1024xf32, #tpu.memory_space<hbm>>) target(%dma_start3A_917 : memref<16x1024xf32, #tpu.memory_space<vmem>>) target_semaphore(%dma_start3A_913 : memref<!tpu.dma_semaphore, #tpu.memory_space<semaphore_mem>>)
          "tpu.trace_stop"() : () -> ()
        } else {
        }
        %and3A_450 = arith.constant true
        %and3A_451 = arith.andi %and3A_446, %and3A_450 : i1
        %add3A_452 = arith.constant 1 : i32
        %add3A_453 = arith.addi %scan3A_285, %add3A_452 : i32
        %select_n3A_454 = arith.select %and3A_451, %add3A_453, %scan3A_285 : i32
        %mul3A_455 = arith.constant 16 : i32
        %mul3A_456 = arith.muli %add3A_296, %mul3A_455 : i32
        %add3A_457 = arith.addi %mul3A_456, %add3A_298 : i32
        %mul3A_458 = arith.constant 16 : i32
        %mul3A_459 = arith.muli %add3A_334, %mul3A_458 : i32
        %add3A_460 = arith.addi %mul3A_459, %add3A_336 : i32
        %ne3A_461 = arith.cmpi ne, %add3A_457, %add3A_460 : i32
        %or3A_462 = arith.constant false
        %or3A_463 = arith.ori %or3A_462, %ne3A_461 : i1
        %or3A_464 = arith.constant false
        %or3A_465 = arith.ori %or3A_463, %or3A_464 : i1
        %ge3A_466 = arith.constant 15 : i32
        %ge3A_467 = arith.cmpi sge, %scan3A_280, %ge3A_466 : i32
        %not3A_468 = arith.constant true
        %not3A_469 = arith.xori %ge3A_467, %not3A_468 : i1
        %and3A_470 = arith.andi %or3A_465, %not3A_469 : i1
        %mul3A_471 = arith.constant 16 : i32
        %mul3A_472 = arith.muli %add3A_296, %mul3A_471 : i32
        %add3A_473 = arith.addi %mul3A_472, %add3A_298 : i32
        %mul3A_474 = arith.constant 16 : i32
        %mul3A_475 = arith.muli %add3A_315, %mul3A_474 : i32
        %add3A_476 = arith.addi %mul3A_475, %add3A_317 : i32
        %ne3A_477 = arith.cmpi ne, %add3A_473, %add3A_476 : i32
        %or3A_478 = arith.constant false
        %or3A_479 = arith.ori %or3A_478, %ne3A_477 : i1
        %or3A_480 = arith.constant false
        %or3A_481 = arith.ori %or3A_479, %or3A_480 : i1
        %or3A_482 = arith.ori %or3A_481, %eq3A_292 : i1
        %convert_element_type3A_483 = arith.extui %or3A_482 : i1 to i32
        %cond3A_484 = arith.constant 0 : i32
        %cond3A_485 = arith.cmpi ne, %convert_element_type3A_483, %cond3A_484 : i32
        scf.if %cond3A_485 {
          "tpu.trace_start"() <{level = 10 : i32, message = "ep_wait_in"}> : () -> ()
          %mul3A_883 = arith.constant 16 : i32
          %mul3A_884 = arith.muli %add3A_296, %mul3A_883 : i32
          %add3A_885 = arith.addi %mul3A_884, %add3A_298 : i32
          %mul3A_886 = arith.constant 16 : i32
          %mul3A_887 = arith.muli %mul3A_886, %add3A_885 : i32
          %rem3A_888 = arith.constant 2 : i32
          %rem3A_889 = arith.remui %scan3A_282, %rem3A_888 : i32
          %dma_wait3A_890 = arith.constant 0 : i32
          %dma_wait3A_891 = arith.constant 0 : i32
          %dma_wait3A_892 = tpu.memref_slice %run_scoped3A[%rem3A_889, %dma_wait3A_890, %dma_wait3A_891] : memref<2x16x1024xf32, #tpu.memory_space<vmem>> -> memref<1x16x1024xf32, #tpu.memory_space<vmem>>
          %dma_wait3A_893 = tpu.memref_squeeze %dma_wait3A_892 : memref<1x16x1024xf32, #tpu.memory_space<vmem>> -> memref<16x1024xf32, #tpu.memory_space<vmem>>
          %dma_wait3A_894 = arith.constant 0 : i32
          %dma_wait3A_895 = tpu.memref_slice %arg2[%mul3A_887, %dma_wait3A_894] : memref<8192x1024xf32, #tpu.memory_space<hbm>> -> memref<16x1024xf32, #tpu.memory_space<hbm>>
          %dma_wait3A_896 = tpu.memref_slice %run_scoped3A_11[%rem3A_889] : memref<2x!tpu.dma_semaphore, #tpu.memory_space<semaphore_mem>> -> memref<1x!tpu.dma_semaphore, #tpu.memory_space<semaphore_mem>>
          %dma_wait3A_897 = tpu.memref_squeeze %dma_wait3A_896 : memref<1x!tpu.dma_semaphore, #tpu.memory_space<semaphore_mem>> -> memref<!tpu.dma_semaphore, #tpu.memory_space<semaphore_mem>>
          %dma_wait3A_898 = arith.constant 0 : i32
          %dma_wait3A_899 = arith.constant 0 : i32
          %dma_wait3A_900 = tpu.memref_slice %run_scoped3A[%rem3A_889, %dma_wait3A_898, %dma_wait3A_899] : memref<2x16x1024xf32, #tpu.memory_space<vmem>> -> memref<1x16x1024xf32, #tpu.memory_space<vmem>>
          %dma_wait3A_901 = tpu.memref_squeeze %dma_wait3A_900 : memref<1x16x1024xf32, #tpu.memory_space<vmem>> -> memref<16x1024xf32, #tpu.memory_space<vmem>>
          %dma_wait3A_902 = arith.constant 0 : i32
          %dma_wait3A_903 = tpu.memref_slice %arg2[%mul3A_887, %dma_wait3A_902] : memref<8192x1024xf32, #tpu.memory_space<hbm>> -> memref<16x1024xf32, #tpu.memory_space<hbm>>
          tpu.wait_dma2 semaphore(%dma_wait3A_897 : memref<!tpu.dma_semaphore, #tpu.memory_space<semaphore_mem>>) src(%dma_wait3A_903 : memref<16x1024xf32, #tpu.memory_space<hbm>>) dst(%dma_wait3A_901 : memref<16x1024xf32, #tpu.memory_space<vmem>>)
          "tpu.trace_stop"() : () -> ()
        } else {
        }
        %mul3A_486 = arith.constant 16 : i32
        %mul3A_487 = arith.muli %add3A_296, %mul3A_486 : i32
        %add3A_488 = arith.addi %mul3A_487, %add3A_298 : i32
        %mul3A_489 = arith.constant 16 : i32
        %mul3A_490 = arith.muli %add3A_315, %mul3A_489 : i32
        %add3A_491 = arith.addi %mul3A_490, %add3A_317 : i32
        %ne3A_492 = arith.cmpi ne, %add3A_488, %add3A_491 : i32
        %or3A_493 = arith.constant false
        %or3A_494 = arith.ori %or3A_493, %ne3A_492 : i1
        %or3A_495 = arith.constant false
        %or3A_496 = arith.ori %or3A_494, %or3A_495 : i1
        %or3A_497 = arith.ori %or3A_496, %eq3A_292 : i1
        %convert_element_type3A_498 = arith.extui %or3A_497 : i1 to i32
        %cond3A_499 = arith.constant 0 : i32
        %cond3A_500 = arith.cmpi ne, %convert_element_type3A_498, %cond3A_499 : i32
        scf.if %cond3A_500 {
          "tpu.trace_start"() <{level = 10 : i32, message = "ep_wait_in"}> : () -> ()
          %mul3A_883 = arith.constant 16 : i32
          %mul3A_884 = arith.muli %add3A_296, %mul3A_883 : i32
          %add3A_885 = arith.addi %mul3A_884, %add3A_298 : i32
          %mul3A_886 = arith.constant 16 : i32
          %mul3A_887 = arith.muli %mul3A_886, %add3A_885 : i32
          %rem3A_888 = arith.constant 2 : i32
          %rem3A_889 = arith.remui %scan3A_284, %rem3A_888 : i32
          %dma_wait3A_890 = arith.constant 0 : i32
          %dma_wait3A_891 = arith.constant 0 : i32
          %dma_wait3A_892 = tpu.memref_slice %run_scoped3A_12[%rem3A_889, %dma_wait3A_890, %dma_wait3A_891] : memref<2x16x16xf32, #tpu.memory_space<vmem>> -> memref<1x16x16xf32, #tpu.memory_space<vmem>>
          %dma_wait3A_893 = tpu.memref_squeeze %dma_wait3A_892 : memref<1x16x16xf32, #tpu.memory_space<vmem>> -> memref<16x16xf32, #tpu.memory_space<vmem>>
          %dma_wait3A_894 = arith.constant 0 : i32
          %dma_wait3A_895 = tpu.memref_slice %arg3[%mul3A_887, %dma_wait3A_894] : memref<8192x16xf32, #tpu.memory_space<hbm>> -> memref<16x16xf32, #tpu.memory_space<hbm>>
          %dma_wait3A_896 = tpu.memref_slice %run_scoped3A_13[%rem3A_889] : memref<2x!tpu.dma_semaphore, #tpu.memory_space<semaphore_mem>> -> memref<1x!tpu.dma_semaphore, #tpu.memory_space<semaphore_mem>>
          %dma_wait3A_897 = tpu.memref_squeeze %dma_wait3A_896 : memref<1x!tpu.dma_semaphore, #tpu.memory_space<semaphore_mem>> -> memref<!tpu.dma_semaphore, #tpu.memory_space<semaphore_mem>>
          %dma_wait3A_898 = arith.constant 0 : i32
          %dma_wait3A_899 = arith.constant 0 : i32
          %dma_wait3A_900 = tpu.memref_slice %run_scoped3A_12[%rem3A_889, %dma_wait3A_898, %dma_wait3A_899] : memref<2x16x16xf32, #tpu.memory_space<vmem>> -> memref<1x16x16xf32, #tpu.memory_space<vmem>>
          %dma_wait3A_901 = tpu.memref_squeeze %dma_wait3A_900 : memref<1x16x16xf32, #tpu.memory_space<vmem>> -> memref<16x16xf32, #tpu.memory_space<vmem>>
          %dma_wait3A_902 = arith.constant 0 : i32
          %dma_wait3A_903 = tpu.memref_slice %arg3[%mul3A_887, %dma_wait3A_902] : memref<8192x16xf32, #tpu.memory_space<hbm>> -> memref<16x16xf32, #tpu.memory_space<hbm>>
          tpu.wait_dma2 semaphore(%dma_wait3A_897 : memref<!tpu.dma_semaphore, #tpu.memory_space<semaphore_mem>>) src(%dma_wait3A_903 : memref<16x16xf32, #tpu.memory_space<hbm>>) dst(%dma_wait3A_901 : memref<16x16xf32, #tpu.memory_space<vmem>>)
          "tpu.trace_stop"() : () -> ()
        } else {
        }
        %mul3A_501 = arith.constant 16 : i32
        %mul3A_502 = arith.muli %add3A_296, %mul3A_501 : i32
        %add3A_503 = arith.addi %mul3A_502, %add3A_298 : i32
        %jit3A_504 = arith.constant 128 : i32
        %eq3A_505 = arith.constant 0 : i32
        %eq3A_506 = arith.cmpi eq, %jit3A_504, %eq3A_505 : i32
        %jit3A_507 = arith.constant 1 : i32
        %select_n3A_508 = arith.select %eq3A_506, %jit3A_507, %jit3A_504 : i32
        %rem3A_509 = arith.remsi %add3A_503, %select_n3A_508 : i32
        %ne3A_510 = arith.constant 0 : i32
        %ne3A_511 = arith.cmpi ne, %rem3A_509, %ne3A_510 : i32
        %lt3A_512 = arith.constant 0 : i32
        %lt3A_513 = arith.cmpi slt, %rem3A_509, %lt3A_512 : i32
        %lt3A_514 = arith.constant 0 : i32
        %lt3A_515 = arith.cmpi slt, %select_n3A_508, %lt3A_514 : i32
        %ne3A_516 = arith.xori %lt3A_513, %lt3A_515 : i1
        %and3A_517 = arith.andi %ne3A_516, %ne3A_511 : i1
        %add3A_518 = arith.addi %rem3A_509, %select_n3A_508 : i32
        %select_n3A_519 = arith.select %and3A_517, %add3A_518, %rem3A_509 : i32
        %mul3A_520 = arith.constant 16 : i32
        %mul3A_521 = arith.muli %add3A_315, %mul3A_520 : i32
        %add3A_522 = arith.addi %mul3A_521, %add3A_317 : i32
        %jit3A_523 = arith.constant 128 : i32
        %eq3A_524 = arith.constant 0 : i32
        %eq3A_525 = arith.cmpi eq, %jit3A_523, %eq3A_524 : i32
        %jit3A_526 = arith.constant 1 : i32
        %select_n3A_527 = arith.select %eq3A_525, %jit3A_526, %jit3A_523 : i32
        %rem3A_528 = arith.remsi %add3A_522, %select_n3A_527 : i32
        %ne3A_529 = arith.constant 0 : i32
        %ne3A_530 = arith.cmpi ne, %rem3A_528, %ne3A_529 : i32
        %lt3A_531 = arith.constant 0 : i32
        %lt3A_532 = arith.cmpi slt, %rem3A_528, %lt3A_531 : i32
        %lt3A_533 = arith.constant 0 : i32
        %lt3A_534 = arith.cmpi slt, %select_n3A_527, %lt3A_533 : i32
        %ne3A_535 = arith.xori %lt3A_532, %lt3A_534 : i1
        %and3A_536 = arith.andi %ne3A_535, %ne3A_530 : i1
        %add3A_537 = arith.addi %rem3A_528, %select_n3A_527 : i32
        %select_n3A_538 = arith.select %and3A_536, %add3A_537, %rem3A_528 : i32
        %ne3A_539 = arith.cmpi ne, %select_n3A_519, %select_n3A_538 : i32
        %or3A_540 = arith.constant false
        %or3A_541 = arith.ori %or3A_540, %ne3A_539 : i1
        %or3A_542 = arith.constant false
        %or3A_543 = arith.ori %or3A_541, %or3A_542 : i1
        %or3A_544 = arith.ori %or3A_543, %eq3A_292 : i1
        %convert_element_type3A_545 = arith.extui %or3A_544 : i1 to i32
        %cond3A_546 = arith.constant 0 : i32
        %cond3A_547 = arith.cmpi ne, %convert_element_type3A_545, %cond3A_546 : i32
        scf.if %cond3A_547 {
          "tpu.trace_start"() <{level = 10 : i32, message = "ep_wait_in"}> : () -> ()
          %mul3A_883 = arith.constant 16 : i32
          %mul3A_884 = arith.muli %add3A_296, %mul3A_883 : i32
          %add3A_885 = arith.addi %mul3A_884, %add3A_298 : i32
          %jit3A_886 = arith.constant 128 : i32
          %eq3A_887 = arith.constant 0 : i32
          %eq3A_888 = arith.cmpi eq, %jit3A_886, %eq3A_887 : i32
          %jit3A_889 = arith.constant 1 : i32
          %select_n3A_890 = arith.select %eq3A_888, %jit3A_889, %jit3A_886 : i32
          %rem3A_891 = arith.remsi %add3A_885, %select_n3A_890 : i32
          %ne3A_892 = arith.constant 0 : i32
          %ne3A_893 = arith.cmpi ne, %rem3A_891, %ne3A_892 : i32
          %lt3A_894 = arith.constant 0 : i32
          %lt3A_895 = arith.cmpi slt, %rem3A_891, %lt3A_894 : i32
          %lt3A_896 = arith.constant 0 : i32
          %lt3A_897 = arith.cmpi slt, %select_n3A_890, %lt3A_896 : i32
          %ne3A_898 = arith.xori %lt3A_895, %lt3A_897 : i1
          %and3A_899 = arith.andi %ne3A_898, %ne3A_893 : i1
          %add3A_900 = arith.addi %rem3A_891, %select_n3A_890 : i32
          %select_n3A_901 = arith.select %and3A_899, %add3A_900, %rem3A_891 : i32
          %mul3A_902 = arith.constant 16 : i32
          %mul3A_903 = arith.muli %mul3A_902, %select_n3A_901 : i32
          %rem3A_904 = arith.constant 2 : i32
          %rem3A_905 = arith.remui %scan3A_286, %rem3A_904 : i32
          %dma_wait3A_906 = arith.constant 0 : i32
          %dma_wait3A_907 = arith.constant 0 : i32
          %dma_wait3A_908 = tpu.memref_slice %run_scoped3A_14[%rem3A_905, %dma_wait3A_906, %dma_wait3A_907] : memref<2x16x1024xf32, #tpu.memory_space<vmem>> -> memref<1x16x1024xf32, #tpu.memory_space<vmem>>
          %dma_wait3A_909 = tpu.memref_squeeze %dma_wait3A_908 : memref<1x16x1024xf32, #tpu.memory_space<vmem>> -> memref<16x1024xf32, #tpu.memory_space<vmem>>
          %dma_wait3A_910 = arith.constant 0 : i32
          %dma_wait3A_911 = tpu.memref_slice %arg5[%mul3A_903, %dma_wait3A_910] : memref<2048x1024xf32, #tpu.memory_space<hbm>> -> memref<16x1024xf32, #tpu.memory_space<hbm>>
          %dma_wait3A_912 = tpu.memref_slice %run_scoped3A_15[%rem3A_905] : memref<2x!tpu.dma_semaphore, #tpu.memory_space<semaphore_mem>> -> memref<1x!tpu.dma_semaphore, #tpu.memory_space<semaphore_mem>>
          %dma_wait3A_913 = tpu.memref_squeeze %dma_wait3A_912 : memref<1x!tpu.dma_semaphore, #tpu.memory_space<semaphore_mem>> -> memref<!tpu.dma_semaphore, #tpu.memory_space<semaphore_mem>>
          %dma_wait3A_914 = arith.constant 0 : i32
          %dma_wait3A_915 = arith.constant 0 : i32
          %dma_wait3A_916 = tpu.memref_slice %run_scoped3A_14[%rem3A_905, %dma_wait3A_914, %dma_wait3A_915] : memref<2x16x1024xf32, #tpu.memory_space<vmem>> -> memref<1x16x1024xf32, #tpu.memory_space<vmem>>
          %dma_wait3A_917 = tpu.memref_squeeze %dma_wait3A_916 : memref<1x16x1024xf32, #tpu.memory_space<vmem>> -> memref<16x1024xf32, #tpu.memory_space<vmem>>
          %dma_wait3A_918 = arith.constant 0 : i32
          %dma_wait3A_919 = tpu.memref_slice %arg5[%mul3A_903, %dma_wait3A_918] : memref<2048x1024xf32, #tpu.memory_space<hbm>> -> memref<16x1024xf32, #tpu.memory_space<hbm>>
          tpu.wait_dma2 semaphore(%dma_wait3A_913 : memref<!tpu.dma_semaphore, #tpu.memory_space<semaphore_mem>>) src(%dma_wait3A_919 : memref<16x1024xf32, #tpu.memory_space<hbm>>) dst(%dma_wait3A_917 : memref<16x1024xf32, #tpu.memory_space<vmem>>)
          "tpu.trace_stop"() : () -> ()
        } else {
        }
        %mul3A_548 = arith.constant 16 : i32
        %mul3A_549 = arith.muli %add3A_296, %mul3A_548 : i32
        %add3A_550 = arith.addi %mul3A_549, %add3A_298 : i32
        %mul3A_551 = arith.constant 16 : i32
        %mul3A_552 = arith.muli %add3A_315, %mul3A_551 : i32
        %add3A_553 = arith.addi %mul3A_552, %add3A_317 : i32
        %ne3A_554 = arith.cmpi ne, %add3A_550, %add3A_553 : i32
        %or3A_555 = arith.constant false
        %or3A_556 = arith.ori %or3A_555, %ne3A_554 : i1
        %or3A_557 = arith.constant false
        %or3A_558 = arith.ori %or3A_556, %or3A_557 : i1
        %or3A_559 = arith.ori %or3A_558, %eq3A_292 : i1
        %convert_element_type3A_560 = arith.extui %or3A_559 : i1 to i32
        %cond3A_561 = arith.constant 0 : i32
        %cond3A_562 = arith.cmpi ne, %convert_element_type3A_560, %cond3A_561 : i32
        scf.if %cond3A_562 {
        } else {
        }
        %rem3A_563 = arith.constant 2 : i32
        %rem3A_564 = arith.remui %scan3A_282, %rem3A_563 : i32
        %rem3A_565 = arith.constant 2 : i32
        %rem3A_566 = arith.remui %scan3A_284, %rem3A_565 : i32
        %rem3A_567 = arith.constant 2 : i32
        %rem3A_568 = arith.remui %scan3A_286, %rem3A_567 : i32
        %rem3A_569 = arith.constant 2 : i32
        %rem3A_570 = arith.remui %scan3A_287, %rem3A_569 : i32
        "tpu.trace_start"() <{level = 10 : i32, message = "ep_run_kernel"}> : () -> ()
        %scan3A_571 = arith.constant 0 : i32
        %scan3A_572 = arith.constant 16 : i32
        %scan3A_573 = arith.addi %scan3A_571, %scan3A_572 : i32
        %scan3A_574 = arith.constant 1 : i32
        scf.for %scan3A_883 = %scan3A_571 to %scan3A_573 step %scan3A_574  : i32 {
          %mul3A_884 = arith.constant 1 : i32
          %mul3A_885 = arith.muli %scan3A_883, %mul3A_884 : i32
          %add3A_886 = arith.constant 0 : i32
          %add3A_887 = arith.addi %add3A_886, %mul3A_885 : i32
          %get3A = arith.constant 0 : i32
          %get3A_888 = arith.constant 0 : i32
          %get3A_889 = tpu.memref_slice %run_scoped3A_12[%rem3A_566, %get3A, %get3A_888] : memref<2x16x16xf32, #tpu.memory_space<vmem>> -> memref<1x16x16xf32, #tpu.memory_space<vmem>>
          %get3A_890 = tpu.memref_squeeze %get3A_889 : memref<1x16x16xf32, #tpu.memory_space<vmem>> -> memref<16x16xf32, #tpu.memory_space<vmem>>
          %get3A_891 = arith.index_cast %add3A_887 : i32 to index
          %get3A_892 = arith.constant 0 : index
          %get3A_893 = tpu.vector_load %get3A_890[%get3A_891, %get3A_892] {strides = array<i32>} : memref<16x16xf32, #tpu.memory_space<vmem>>, vector<16xf32>,
          %reduce_max3A = arith.constant true
          %reduce_max3A_894 = vector.broadcast %reduce_max3A : i1 to vector<16xi1>
          %reduce_max3A_895 = tpu.scan <max>, %get3A_893 masked %reduce_max3A_894 : vector<16xf32>, vector<16xi1> -> vector<16xf32>
          %reduce_max3A_896 = vector.extract %reduce_max3A_895[15] : f32 from vector<16xf32>
          %gt3A = arith.constant 5.000000e-01 : f32
          %gt3A_897 = arith.cmpf ogt, %reduce_max3A_896, %gt3A : f32
          %convert_element_type3A_898 = arith.extui %gt3A_897 : i1 to i32
          %cond3A_899 = arith.constant 0 : i32
          %cond3A_900 = arith.cmpi ne, %convert_element_type3A_898, %cond3A_899 : i32
          scf.if %cond3A_900 {
            %scan3A_901 = arith.constant 0 : i32
            %scan3A_902 = arith.constant 64 : i32
            %scan3A_903 = arith.addi %scan3A_901, %scan3A_902 : i32
            %scan3A_904 = arith.constant 1 : i32
            scf.for %scan3A_906 = %scan3A_901 to %scan3A_903 step %scan3A_904  : i32 {
              %mul3A_907 = arith.constant 16 : i32
              %mul3A_908 = arith.muli %scan3A_906, %mul3A_907 : i32
              %add3A_909 = arith.constant 0 : i32
              %add3A_910 = arith.addi %add3A_909, %mul3A_908 : i32
              %get3A_911 = arith.constant 0 : i32
              %get3A_912 = arith.constant 0 : i32
              %get3A_913 = tpu.memref_slice %run_scoped3A[%rem3A_564, %get3A_911, %get3A_912] : memref<2x16x1024xf32, #tpu.memory_space<vmem>> -> memref<1x16x1024xf32, #tpu.memory_space<vmem>>
              %get3A_914 = tpu.memref_squeeze %get3A_913 : memref<1x16x1024xf32, #tpu.memory_space<vmem>> -> memref<16x1024xf32, #tpu.memory_space<vmem>>
              %get3A_915 = arith.index_cast %add3A_887 : i32 to index
              %get3A_916 = arith.index_cast %add3A_910 : i32 to index
              %get3A_917 = tpu.vector_load %get3A_914[%get3A_915, %get3A_916] {strides = array<i32>} : memref<16x1024xf32, #tpu.memory_space<vmem>>, vector<16xf32>,
              %get3A_918 = arith.constant 0 : i32
              %get3A_919 = arith.constant 0 : i32
              %get3A_920 = tpu.memref_slice %run_scoped3A_14[%rem3A_568, %get3A_918, %get3A_919] : memref<2x16x1024xf32, #tpu.memory_space<vmem>> -> memref<1x16x1024xf32, #tpu.memory_space<vmem>>
              %get3A_921 = tpu.memref_squeeze %get3A_920 : memref<1x16x1024xf32, #tpu.memory_space<vmem>> -> memref<16x1024xf32, #tpu.memory_space<vmem>>
              %get3A_922 = arith.index_cast %add3A_887 : i32 to index
              %get3A_923 = arith.index_cast %add3A_910 : i32 to index
              %get3A_924 = tpu.vector_load %get3A_921[%get3A_922, %get3A_923] {strides = array<i32>} : memref<16x1024xf32, #tpu.memory_space<vmem>>, vector<16xf32>,
              %add3A_925 = arith.addf %get3A_917, %get3A_924 : vector<16xf32>
              %get3A_926 = arith.constant 1 : i32
              %get3A_927 = arith.index_cast %get3A_926 : i32 to index
              %get3A_928 = arith.index_cast %add3A_910 : i32 to index
              %get3A_929 = tpu.vector_load %arg8[%get3A_927, %get3A_928] {strides = array<i32>} : memref<2x1024xf32, #tpu.memory_space<vmem>>, vector<16xf32>,
              %add3A_930 = arith.addf %add3A_925, %get3A_929 : vector<16xf32>
              %swap3A = arith.constant 0 : i32
              %swap3A_931 = arith.constant 0 : i32
              %swap3A_932 = tpu.memref_slice %run_scoped3A_16[%rem3A_570, %swap3A, %swap3A_931] : memref<2x16x1024xf32, #tpu.memory_space<vmem>> -> memref<1x16x1024xf32, #tpu.memory_space<vmem>>
              %swap3A_933 = tpu.memref_squeeze %swap3A_932 : memref<1x16x1024xf32, #tpu.memory_space<vmem>> -> memref<16x1024xf32, #tpu.memory_space<vmem>>
              %swap3A_934 = arith.index_cast %add3A_887 : i32 to index
              %swap3A_935 = arith.index_cast %add3A_910 : i32 to index
              %swap3A_936 = tpu.vector_load %swap3A_933[%swap3A_934, %swap3A_935] {strides = array<i32>} : memref<16x1024xf32, #tpu.memory_space<vmem>>, vector<16xf32>,
              tpu.vector_store %swap3A_933[%swap3A_934, %swap3A_935], %add3A_930 {strides = array<i32>} : memref<16x1024xf32, #tpu.memory_space<vmem>>, vector<16xf32>,
            }
            %scan3A_905 = arith.constant 64 : i32
          } else {
            %scan3A_901 = arith.constant 0 : i32
            %scan3A_902 = arith.constant 64 : i32
            %scan3A_903 = arith.addi %scan3A_901, %scan3A_902 : i32
            %scan3A_904 = arith.constant 1 : i32
            scf.for %scan3A_906 = %scan3A_901 to %scan3A_903 step %scan3A_904  : i32 {
              %mul3A_907 = arith.constant 16 : i32
              %mul3A_908 = arith.muli %scan3A_906, %mul3A_907 : i32
              %add3A_909 = arith.constant 0 : i32
              %add3A_910 = arith.addi %add3A_909, %mul3A_908 : i32
              %get3A_911 = arith.constant 0 : i32
              %get3A_912 = arith.constant 0 : i32
              %get3A_913 = tpu.memref_slice %run_scoped3A[%rem3A_564, %get3A_911, %get3A_912] : memref<2x16x1024xf32, #tpu.memory_space<vmem>> -> memref<1x16x1024xf32, #tpu.memory_space<vmem>>
              %get3A_914 = tpu.memref_squeeze %get3A_913 : memref<1x16x1024xf32, #tpu.memory_space<vmem>> -> memref<16x1024xf32, #tpu.memory_space<vmem>>
              %get3A_915 = arith.index_cast %add3A_887 : i32 to index
              %get3A_916 = arith.index_cast %add3A_910 : i32 to index
              %get3A_917 = tpu.vector_load %get3A_914[%get3A_915, %get3A_916] {strides = array<i32>} : memref<16x1024xf32, #tpu.memory_space<vmem>>, vector<16xf32>,
              %get3A_918 = arith.constant 0 : i32
              %get3A_919 = arith.constant 0 : i32
              %get3A_920 = tpu.memref_slice %run_scoped3A_14[%rem3A_568, %get3A_918, %get3A_919] : memref<2x16x1024xf32, #tpu.memory_space<vmem>> -> memref<1x16x1024xf32, #tpu.memory_space<vmem>>
              %get3A_921 = tpu.memref_squeeze %get3A_920 : memref<1x16x1024xf32, #tpu.memory_space<vmem>> -> memref<16x1024xf32, #tpu.memory_space<vmem>>
              %get3A_922 = arith.index_cast %add3A_887 : i32 to index
              %get3A_923 = arith.index_cast %add3A_910 : i32 to index
              %get3A_924 = tpu.vector_load %get3A_921[%get3A_922, %get3A_923] {strides = array<i32>} : memref<16x1024xf32, #tpu.memory_space<vmem>>, vector<16xf32>,
              %add3A_925 = arith.addf %get3A_917, %get3A_924 : vector<16xf32>
              %get3A_926 = arith.constant 0 : i32
              %get3A_927 = arith.index_cast %get3A_926 : i32 to index
              %get3A_928 = arith.index_cast %add3A_910 : i32 to index
              %get3A_929 = tpu.vector_load %arg8[%get3A_927, %get3A_928] {strides = array<i32>} : memref<2x1024xf32, #tpu.memory_space<vmem>>, vector<16xf32>,
              %add3A_930 = arith.addf %add3A_925, %get3A_929 : vector<16xf32>
              %swap3A = arith.constant 0 : i32
              %swap3A_931 = arith.constant 0 : i32
              %swap3A_932 = tpu.memref_slice %run_scoped3A_16[%rem3A_570, %swap3A, %swap3A_931] : memref<2x16x1024xf32, #tpu.memory_space<vmem>> -> memref<1x16x1024xf32, #tpu.memory_space<vmem>>
              %swap3A_933 = tpu.memref_squeeze %swap3A_932 : memref<1x16x1024xf32, #tpu.memory_space<vmem>> -> memref<16x1024xf32, #tpu.memory_space<vmem>>
              %swap3A_934 = arith.index_cast %add3A_887 : i32 to index
              %swap3A_935 = arith.index_cast %add3A_910 : i32 to index
              %swap3A_936 = tpu.vector_load %swap3A_933[%swap3A_934, %swap3A_935] {strides = array<i32>} : memref<16x1024xf32, #tpu.memory_space<vmem>>, vector<16xf32>,
              tpu.vector_store %swap3A_933[%swap3A_934, %swap3A_935], %add3A_930 {strides = array<i32>} : memref<16x1024xf32, #tpu.memory_space<vmem>>, vector<16xf32>,
            }
            %scan3A_905 = arith.constant 64 : i32
          }
        }
        %scan3A_575 = arith.constant 16 : i32
        "tpu.trace_stop"() : () -> ()
        %mul3A_576 = arith.constant 16 : i32
        %mul3A_577 = arith.muli %add3A_296, %mul3A_576 : i32
        %add3A_578 = arith.addi %mul3A_577, %add3A_298 : i32
        %mul3A_579 = arith.constant 16 : i32
        %mul3A_580 = arith.muli %add3A_334, %mul3A_579 : i32
        %add3A_581 = arith.addi %mul3A_580, %add3A_336 : i32
        %ne3A_582 = arith.cmpi ne, %add3A_578, %add3A_581 : i32
        %or3A_583 = arith.constant false
        %or3A_584 = arith.ori %or3A_583, %ne3A_582 : i1
        %or3A_585 = arith.constant false
        %or3A_586 = arith.ori %or3A_584, %or3A_585 : i1
        %or3A_587 = arith.ori %or3A_586, %eq3A_294 : i1
        %convert_element_type3A_588 = arith.extui %or3A_587 : i1 to i32
        %cond3A_589 = arith.constant 0 : i32
        %cond3A_590 = arith.cmpi ne, %convert_element_type3A_588, %cond3A_589 : i32
        scf.if %cond3A_590 {
        } else {
        }
        %and3A_591 = arith.constant false
        %and3A_592 = arith.andi %or3A_587, %and3A_591 : i1
        %mul3A_593 = arith.constant 16 : i32
        %mul3A_594 = arith.muli %add3A_296, %mul3A_593 : i32
        %add3A_595 = arith.addi %mul3A_594, %add3A_298 : i32
        %mul3A_596 = arith.constant 16 : i32
        %mul3A_597 = arith.muli %add3A_334, %mul3A_596 : i32
        %add3A_598 = arith.addi %mul3A_597, %add3A_336 : i32
        %ne3A_599 = arith.cmpi ne, %add3A_595, %add3A_598 : i32
        %or3A_600 = arith.constant false
        %or3A_601 = arith.ori %or3A_600, %ne3A_599 : i1
        %or3A_602 = arith.constant false
        %or3A_603 = arith.ori %or3A_601, %or3A_602 : i1
        %or3A_604 = arith.ori %or3A_603, %eq3A_294 : i1
        %convert_element_type3A_605 = arith.extui %or3A_604 : i1 to i32
        %cond3A_606 = arith.constant 0 : i32
        %cond3A_607 = arith.cmpi ne, %convert_element_type3A_605, %cond3A_606 : i32
        scf.if %cond3A_607 {
        } else {
        }
        %and3A_608 = arith.constant false
        %and3A_609 = arith.andi %or3A_604, %and3A_608 : i1
        %mul3A_610 = arith.constant 16 : i32
        %mul3A_611 = arith.muli %add3A_296, %mul3A_610 : i32
        %add3A_612 = arith.addi %mul3A_611, %add3A_298 : i32
        %jit3A_613 = arith.constant 128 : i32
        %eq3A_614 = arith.constant 0 : i32
        %eq3A_615 = arith.cmpi eq, %jit3A_613, %eq3A_614 : i32
        %jit3A_616 = arith.constant 1 : i32
        %select_n3A_617 = arith.select %eq3A_615, %jit3A_616, %jit3A_613 : i32
        %rem3A_618 = arith.remsi %add3A_612, %select_n3A_617 : i32
        %ne3A_619 = arith.constant 0 : i32
        %ne3A_620 = arith.cmpi ne, %rem3A_618, %ne3A_619 : i32
        %lt3A_621 = arith.constant 0 : i32
        %lt3A_622 = arith.cmpi slt, %rem3A_618, %lt3A_621 : i32
        %lt3A_623 = arith.constant 0 : i32
        %lt3A_624 = arith.cmpi slt, %select_n3A_617, %lt3A_623 : i32
        %ne3A_625 = arith.xori %lt3A_622, %lt3A_624 : i1
        %and3A_626 = arith.andi %ne3A_625, %ne3A_620 : i1
        %add3A_627 = arith.addi %rem3A_618, %select_n3A_617 : i32
        %select_n3A_628 = arith.select %and3A_626, %add3A_627, %rem3A_618 : i32
        %mul3A_629 = arith.constant 16 : i32
        %mul3A_630 = arith.muli %add3A_334, %mul3A_629 : i32
        %add3A_631 = arith.addi %mul3A_630, %add3A_336 : i32
        %jit3A_632 = arith.constant 128 : i32
        %eq3A_633 = arith.constant 0 : i32
        %eq3A_634 = arith.cmpi eq, %jit3A_632, %eq3A_633 : i32
        %jit3A_635 = arith.constant 1 : i32
        %select_n3A_636 = arith.select %eq3A_634, %jit3A_635, %jit3A_632 : i32
        %rem3A_637 = arith.remsi %add3A_631, %select_n3A_636 : i32
        %ne3A_638 = arith.constant 0 : i32
        %ne3A_639 = arith.cmpi ne, %rem3A_637, %ne3A_638 : i32
        %lt3A_640 = arith.constant 0 : i32
        %lt3A_641 = arith.cmpi slt, %rem3A_637, %lt3A_640 : i32
        %lt3A_642 = arith.constant 0 : i32
        %lt3A_643 = arith.cmpi slt, %select_n3A_636, %lt3A_642 : i32
        %ne3A_644 = arith.xori %lt3A_641, %lt3A_643 : i1
        %and3A_645 = arith.andi %ne3A_644, %ne3A_639 : i1
        %add3A_646 = arith.addi %rem3A_637, %select_n3A_636 : i32
        %select_n3A_647 = arith.select %and3A_645, %add3A_646, %rem3A_637 : i32
        %ne3A_648 = arith.cmpi ne, %select_n3A_628, %select_n3A_647 : i32
        %or3A_649 = arith.constant false
        %or3A_650 = arith.ori %or3A_649, %ne3A_648 : i1
        %or3A_651 = arith.constant false
        %or3A_652 = arith.ori %or3A_650, %or3A_651 : i1
        %or3A_653 = arith.ori %or3A_652, %eq3A_294 : i1
        %convert_element_type3A_654 = arith.extui %or3A_653 : i1 to i32
        %cond3A_655 = arith.constant 0 : i32
        %cond3A_656 = arith.cmpi ne, %convert_element_type3A_654, %cond3A_655 : i32
        scf.if %cond3A_656 {
        } else {
        }
        %and3A_657 = arith.constant false
        %and3A_658 = arith.andi %or3A_653, %and3A_657 : i1
        %mul3A_659 = arith.constant 16 : i32
        %mul3A_660 = arith.muli %add3A_296, %mul3A_659 : i32
        %add3A_661 = arith.addi %mul3A_660, %add3A_298 : i32
        %mul3A_662 = arith.constant 16 : i32
        %mul3A_663 = arith.muli %add3A_334, %mul3A_662 : i32
        %add3A_664 = arith.addi %mul3A_663, %add3A_336 : i32
        %ne3A_665 = arith.cmpi ne, %add3A_661, %add3A_664 : i32
        %or3A_666 = arith.constant false
        %or3A_667 = arith.ori %or3A_666, %ne3A_665 : i1
        %or3A_668 = arith.constant false
        %or3A_669 = arith.ori %or3A_667, %or3A_668 : i1
        %or3A_670 = arith.ori %or3A_669, %eq3A_294 : i1
        %convert_element_type3A_671 = arith.extui %or3A_670 : i1 to i32
        %cond3A_672 = arith.constant 0 : i32
        %cond3A_673 = arith.cmpi ne, %convert_element_type3A_671, %cond3A_672 : i32
        scf.if %cond3A_673 {
          "tpu.trace_start"() <{level = 10 : i32, message = "ep_copy_out"}> : () -> ()
          %rem3A_883 = arith.constant 2 : i32
          %rem3A_884 = arith.remui %scan3A_287, %rem3A_883 : i32
          %mul3A_885 = arith.constant 16 : i32
          %mul3A_886 = arith.muli %add3A_296, %mul3A_885 : i32
          %add3A_887 = arith.addi %mul3A_886, %add3A_298 : i32
          %mul3A_888 = arith.constant 16 : i32
          %mul3A_889 = arith.muli %mul3A_888, %add3A_887 : i32
          %dma_start3A_890 = arith.constant 0 : i32
          %dma_start3A_891 = arith.constant 0 : i32
          %dma_start3A_892 = tpu.memref_slice %run_scoped3A_16[%rem3A_884, %dma_start3A_890, %dma_start3A_891] : memref<2x16x1024xf32, #tpu.memory_space<vmem>> -> memref<1x16x1024xf32, #tpu.memory_space<vmem>>
          %dma_start3A_893 = tpu.memref_squeeze %dma_start3A_892 : memref<1x16x1024xf32, #tpu.memory_space<vmem>> -> memref<16x1024xf32, #tpu.memory_space<vmem>>
          %dma_start3A_894 = arith.constant 0 : i32
          %dma_start3A_895 = tpu.memref_slice %arg6[%mul3A_889, %dma_start3A_894] : memref<8192x1024xf32, #tpu.memory_space<hbm>> -> memref<16x1024xf32, #tpu.memory_space<hbm>>
          %dma_start3A_896 = tpu.memref_slice %run_scoped3A_17[%rem3A_884] : memref<2x!tpu.dma_semaphore, #tpu.memory_space<semaphore_mem>> -> memref<1x!tpu.dma_semaphore, #tpu.memory_space<semaphore_mem>>
          %dma_start3A_897 = tpu.memref_squeeze %dma_start3A_896 : memref<1x!tpu.dma_semaphore, #tpu.memory_space<semaphore_mem>> -> memref<!tpu.dma_semaphore, #tpu.memory_space<semaphore_mem>>
          %dma_start3A_898 = arith.constant 0 : i32
          %dma_start3A_899 = tpu.memref_slice %arg6[%mul3A_889, %dma_start3A_898] : memref<8192x1024xf32, #tpu.memory_space<hbm>> -> memref<16x1024xf32, #tpu.memory_space<hbm>>
          %dma_start3A_900 = arith.constant 0 : i32
          %dma_start3A_901 = arith.constant 0 : i32
          %dma_start3A_902 = tpu.memref_slice %run_scoped3A_16[%rem3A_884, %dma_start3A_900, %dma_start3A_901] : memref<2x16x1024xf32, #tpu.memory_space<vmem>> -> memref<1x16x1024xf32, #tpu.memory_space<vmem>>
          %dma_start3A_903 = tpu.memref_squeeze %dma_start3A_902 : memref<1x16x1024xf32, #tpu.memory_space<vmem>> -> memref<16x1024xf32, #tpu.memory_space<vmem>>
          tpu.enqueue_dma source(%dma_start3A_903 : memref<16x1024xf32, #tpu.memory_space<vmem>>) target(%dma_start3A_899 : memref<16x1024xf32, #tpu.memory_space<hbm>>) target_semaphore(%dma_start3A_897 : memref<!tpu.dma_semaphore, #tpu.memory_space<semaphore_mem>>)
          "tpu.trace_stop"() : () -> ()
        } else {
        }
        %and3A_674 = arith.constant true
        %and3A_675 = arith.andi %or3A_670, %and3A_674 : i1
        %add3A_676 = arith.constant 1 : i32
        %add3A_677 = arith.addi %scan3A_287, %add3A_676 : i32
        %select_n3A_678 = arith.select %and3A_675, %add3A_677, %scan3A_287 : i32
        %mul3A_679 = arith.constant 16 : i32
        %mul3A_680 = arith.muli %add3A_296, %mul3A_679 : i32
        %add3A_681 = arith.addi %mul3A_680, %add3A_298 : i32
        %mul3A_682 = arith.constant 16 : i32
        %mul3A_683 = arith.muli %add3A_315, %mul3A_682 : i32
        %add3A_684 = arith.addi %mul3A_683, %add3A_317 : i32
        %ne3A_685 = arith.cmpi ne, %add3A_681, %add3A_684 : i32
        %or3A_686 = arith.constant false
        %or3A_687 = arith.ori %or3A_686, %ne3A_685 : i1
        %or3A_688 = arith.constant false
        %or3A_689 = arith.ori %or3A_687, %or3A_688 : i1
        %not3A_690 = arith.constant true
        %not3A_691 = arith.xori %eq3A_292, %not3A_690 : i1
        %and3A_692 = arith.andi %or3A_689, %not3A_691 : i1
        %convert_element_type3A_693 = arith.extui %and3A_692 : i1 to i32
        %cond3A_694 = arith.constant 0 : i32
        %cond3A_695 = arith.cmpi ne, %convert_element_type3A_693, %cond3A_694 : i32
        scf.if %cond3A_695 {
        } else {
        }
        %and3A_696 = arith.constant false
        %and3A_697 = arith.andi %and3A_692, %and3A_696 : i1
        %mul3A_698 = arith.constant 16 : i32
        %mul3A_699 = arith.muli %add3A_296, %mul3A_698 : i32
        %add3A_700 = arith.addi %mul3A_699, %add3A_298 : i32
        %mul3A_701 = arith.constant 16 : i32
        %mul3A_702 = arith.muli %add3A_315, %mul3A_701 : i32
        %add3A_703 = arith.addi %mul3A_702, %add3A_317 : i32
        %ne3A_704 = arith.cmpi ne, %add3A_700, %add3A_703 : i32
        %or3A_705 = arith.constant false
        %or3A_706 = arith.ori %or3A_705, %ne3A_704 : i1
        %or3A_707 = arith.constant false
        %or3A_708 = arith.ori %or3A_706, %or3A_707 : i1
        %not3A_709 = arith.constant true
        %not3A_710 = arith.xori %eq3A_292, %not3A_709 : i1
        %and3A_711 = arith.andi %or3A_708, %not3A_710 : i1
        %convert_element_type3A_712 = arith.extui %and3A_711 : i1 to i32
        %cond3A_713 = arith.constant 0 : i32
        %cond3A_714 = arith.cmpi ne, %convert_element_type3A_712, %cond3A_713 : i32
        scf.if %cond3A_714 {
        } else {
        }
        %and3A_715 = arith.constant false
        %and3A_716 = arith.andi %and3A_711, %and3A_715 : i1
        %mul3A_717 = arith.constant 16 : i32
        %mul3A_718 = arith.muli %add3A_296, %mul3A_717 : i32
        %add3A_719 = arith.addi %mul3A_718, %add3A_298 : i32
        %jit3A_720 = arith.constant 128 : i32
        %eq3A_721 = arith.constant 0 : i32
        %eq3A_722 = arith.cmpi eq, %jit3A_720, %eq3A_721 : i32
        %jit3A_723 = arith.constant 1 : i32
        %select_n3A_724 = arith.select %eq3A_722, %jit3A_723, %jit3A_720 : i32
        %rem3A_725 = arith.remsi %add3A_719, %select_n3A_724 : i32
        %ne3A_726 = arith.constant 0 : i32
        %ne3A_727 = arith.cmpi ne, %rem3A_725, %ne3A_726 : i32
        %lt3A_728 = arith.constant 0 : i32
        %lt3A_729 = arith.cmpi slt, %rem3A_725, %lt3A_728 : i32
        %lt3A_730 = arith.constant 0 : i32
        %lt3A_731 = arith.cmpi slt, %select_n3A_724, %lt3A_730 : i32
        %ne3A_732 = arith.xori %lt3A_729, %lt3A_731 : i1
        %and3A_733 = arith.andi %ne3A_732, %ne3A_727 : i1
        %add3A_734 = arith.addi %rem3A_725, %select_n3A_724 : i32
        %select_n3A_735 = arith.select %and3A_733, %add3A_734, %rem3A_725 : i32
        %mul3A_736 = arith.constant 16 : i32
        %mul3A_737 = arith.muli %add3A_315, %mul3A_736 : i32
        %add3A_738 = arith.addi %mul3A_737, %add3A_317 : i32
        %jit3A_739 = arith.constant 128 : i32
        %eq3A_740 = arith.constant 0 : i32
        %eq3A_741 = arith.cmpi eq, %jit3A_739, %eq3A_740 : i32
        %jit3A_742 = arith.constant 1 : i32
        %select_n3A_743 = arith.select %eq3A_741, %jit3A_742, %jit3A_739 : i32
        %rem3A_744 = arith.remsi %add3A_738, %select_n3A_743 : i32
        %ne3A_745 = arith.constant 0 : i32
        %ne3A_746 = arith.cmpi ne, %rem3A_744, %ne3A_745 : i32
        %lt3A_747 = arith.constant 0 : i32
        %lt3A_748 = arith.cmpi slt, %rem3A_744, %lt3A_747 : i32
        %lt3A_749 = arith.constant 0 : i32
        %lt3A_750 = arith.cmpi slt, %select_n3A_743, %lt3A_749 : i32
        %ne3A_751 = arith.xori %lt3A_748, %lt3A_750 : i1
        %and3A_752 = arith.andi %ne3A_751, %ne3A_746 : i1
        %add3A_753 = arith.addi %rem3A_744, %select_n3A_743 : i32
        %select_n3A_754 = arith.select %and3A_752, %add3A_753, %rem3A_744 : i32
        %ne3A_755 = arith.cmpi ne, %select_n3A_735, %select_n3A_754 : i32
        %or3A_756 = arith.constant false
        %or3A_757 = arith.ori %or3A_756, %ne3A_755 : i1
        %or3A_758 = arith.constant false
        %or3A_759 = arith.ori %or3A_757, %or3A_758 : i1
        %not3A_760 = arith.constant true
        %not3A_761 = arith.xori %eq3A_292, %not3A_760 : i1
        %and3A_762 = arith.andi %or3A_759, %not3A_761 : i1
        %convert_element_type3A_763 = arith.extui %and3A_762 : i1 to i32
        %cond3A_764 = arith.constant 0 : i32
        %cond3A_765 = arith.cmpi ne, %convert_element_type3A_763, %cond3A_764 : i32
        scf.if %cond3A_765 {
        } else {
        }
        %and3A_766 = arith.constant false
        %and3A_767 = arith.andi %and3A_762, %and3A_766 : i1
        %mul3A_768 = arith.constant 16 : i32
        %mul3A_769 = arith.muli %add3A_296, %mul3A_768 : i32
        %add3A_770 = arith.addi %mul3A_769, %add3A_298 : i32
        %mul3A_771 = arith.constant 16 : i32
        %mul3A_772 = arith.muli %add3A_315, %mul3A_771 : i32
        %add3A_773 = arith.addi %mul3A_772, %add3A_317 : i32
        %ne3A_774 = arith.cmpi ne, %add3A_770, %add3A_773 : i32
        %or3A_775 = arith.constant false
        %or3A_776 = arith.ori %or3A_775, %ne3A_774 : i1
        %or3A_777 = arith.constant false
        %or3A_778 = arith.ori %or3A_776, %or3A_777 : i1
        %not3A_779 = arith.constant true
        %not3A_780 = arith.xori %eq3A_292, %not3A_779 : i1
        %and3A_781 = arith.andi %or3A_778, %not3A_780 : i1
        %convert_element_type3A_782 = arith.extui %and3A_781 : i1 to i32
        %cond3A_783 = arith.constant 0 : i32
        %cond3A_784 = arith.cmpi ne, %convert_element_type3A_782, %cond3A_783 : i32
        scf.if %cond3A_784 {
          "tpu.trace_start"() <{level = 10 : i32, message = "ep_wait_out"}> : () -> ()
          %rem3A_883 = arith.constant 2 : i32
          %rem3A_884 = arith.remui %scan3A_288, %rem3A_883 : i32
          %mul3A_885 = arith.constant 16 : i32
          %mul3A_886 = arith.muli %add3A_315, %mul3A_885 : i32
          %add3A_887 = arith.addi %mul3A_886, %add3A_317 : i32
          %mul3A_888 = arith.constant 16 : i32
          %mul3A_889 = arith.muli %mul3A_888, %add3A_887 : i32
          %dma_wait3A_890 = arith.constant 0 : i32
          %dma_wait3A_891 = arith.constant 0 : i32
          %dma_wait3A_892 = tpu.memref_slice %run_scoped3A_16[%rem3A_884, %dma_wait3A_890, %dma_wait3A_891] : memref<2x16x1024xf32, #tpu.memory_space<vmem>> -> memref<1x16x1024xf32, #tpu.memory_space<vmem>>
          %dma_wait3A_893 = tpu.memref_squeeze %dma_wait3A_892 : memref<1x16x1024xf32, #tpu.memory_space<vmem>> -> memref<16x1024xf32, #tpu.memory_space<vmem>>
          %dma_wait3A_894 = arith.constant 0 : i32
          %dma_wait3A_895 = tpu.memref_slice %arg6[%mul3A_889, %dma_wait3A_894] : memref<8192x1024xf32, #tpu.memory_space<hbm>> -> memref<16x1024xf32, #tpu.memory_space<hbm>>
          %dma_wait3A_896 = tpu.memref_slice %run_scoped3A_17[%rem3A_884] : memref<2x!tpu.dma_semaphore, #tpu.memory_space<semaphore_mem>> -> memref<1x!tpu.dma_semaphore, #tpu.memory_space<semaphore_mem>>
          %dma_wait3A_897 = tpu.memref_squeeze %dma_wait3A_896 : memref<1x!tpu.dma_semaphore, #tpu.memory_space<semaphore_mem>> -> memref<!tpu.dma_semaphore, #tpu.memory_space<semaphore_mem>>
          %dma_wait3A_898 = arith.constant 0 : i32
          %dma_wait3A_899 = tpu.memref_slice %arg6[%mul3A_889, %dma_wait3A_898] : memref<8192x1024xf32, #tpu.memory_space<hbm>> -> memref<16x1024xf32, #tpu.memory_space<hbm>>
          %dma_wait3A_900 = arith.constant 0 : i32
          %dma_wait3A_901 = arith.constant 0 : i32
          %dma_wait3A_902 = tpu.memref_slice %run_scoped3A_16[%rem3A_884, %dma_wait3A_900, %dma_wait3A_901] : memref<2x16x1024xf32, #tpu.memory_space<vmem>> -> memref<1x16x1024xf32, #tpu.memory_space<vmem>>
          %dma_wait3A_903 = tpu.memref_squeeze %dma_wait3A_902 : memref<1x16x1024xf32, #tpu.memory_space<vmem>> -> memref<16x1024xf32, #tpu.memory_space<vmem>>
          tpu.wait_dma2 semaphore(%dma_wait3A_897 : memref<!tpu.dma_semaphore, #tpu.memory_space<semaphore_mem>>) src(%dma_wait3A_903 : memref<16x1024xf32, #tpu.memory_space<vmem>>) dst(%dma_wait3A_899 : memref<16x1024xf32, #tpu.memory_space<hbm>>)
          "tpu.trace_stop"() : () -> ()
        } else {
        }
        %and3A_785 = arith.constant true
        %and3A_786 = arith.andi %and3A_781, %and3A_785 : i1
        %add3A_787 = arith.constant 1 : i32
        %add3A_788 = arith.addi %scan3A_288, %add3A_787 : i32
        %select_n3A_789 = arith.select %and3A_786, %add3A_788, %scan3A_288 : i32
        %mul3A_790 = arith.constant 16 : i32
        %mul3A_791 = arith.muli %add3A_296, %mul3A_790 : i32
        %add3A_792 = arith.addi %mul3A_791, %add3A_298 : i32
        %mul3A_793 = arith.constant 16 : i32
        %mul3A_794 = arith.muli %add3A_334, %mul3A_793 : i32
        %add3A_795 = arith.addi %mul3A_794, %add3A_336 : i32
        %ne3A_796 = arith.cmpi ne, %add3A_792, %add3A_795 : i32
        %or3A_797 = arith.constant false
        %or3A_798 = arith.ori %or3A_797, %ne3A_796 : i1
        %or3A_799 = arith.constant false
        %or3A_800 = arith.ori %or3A_798, %or3A_799 : i1
        %or3A_801 = arith.ori %or3A_800, %eq3A_294 : i1
        %add3A_802 = arith.constant 1 : i32
        %add3A_803 = arith.addi %scan3A_282, %add3A_802 : i32
        %select_n3A_804 = arith.select %or3A_801, %add3A_803, %scan3A_282 : i32
        %mul3A_805 = arith.constant 16 : i32
        %mul3A_806 = arith.muli %add3A_296, %mul3A_805 : i32
        %add3A_807 = arith.addi %mul3A_806, %add3A_298 : i32
        %mul3A_808 = arith.constant 16 : i32
        %mul3A_809 = arith.muli %add3A_334, %mul3A_808 : i32
        %add3A_810 = arith.addi %mul3A_809, %add3A_336 : i32
        %ne3A_811 = arith.cmpi ne, %add3A_807, %add3A_810 : i32
        %or3A_812 = arith.constant false
        %or3A_813 = arith.ori %or3A_812, %ne3A_811 : i1
        %or3A_814 = arith.constant false
        %or3A_815 = arith.ori %or3A_813, %or3A_814 : i1
        %or3A_816 = arith.ori %or3A_815, %eq3A_294 : i1
        %add3A_817 = arith.constant 1 : i32
        %add3A_818 = arith.addi %scan3A_284, %add3A_817 : i32
        %select_n3A_819 = arith.select %or3A_816, %add3A_818, %scan3A_284 : i32
        %mul3A_820 = arith.constant 16 : i32
        %mul3A_821 = arith.muli %add3A_296, %mul3A_820 : i32
        %add3A_822 = arith.addi %mul3A_821, %add3A_298 : i32
        %jit3A_823 = arith.constant 128 : i32
        %eq3A_824 = arith.constant 0 : i32
        %eq3A_825 = arith.cmpi eq, %jit3A_823, %eq3A_824 : i32
        %jit3A_826 = arith.constant 1 : i32
        %select_n3A_827 = arith.select %eq3A_825, %jit3A_826, %jit3A_823 : i32
        %rem3A_828 = arith.remsi %add3A_822, %select_n3A_827 : i32
        %ne3A_829 = arith.constant 0 : i32
        %ne3A_830 = arith.cmpi ne, %rem3A_828, %ne3A_829 : i32
        %lt3A_831 = arith.constant 0 : i32
        %lt3A_832 = arith.cmpi slt, %rem3A_828, %lt3A_831 : i32
        %lt3A_833 = arith.constant 0 : i32
        %lt3A_834 = arith.cmpi slt, %select_n3A_827, %lt3A_833 : i32
        %ne3A_835 = arith.xori %lt3A_832, %lt3A_834 : i1
        %and3A_836 = arith.andi %ne3A_835, %ne3A_830 : i1
        %add3A_837 = arith.addi %rem3A_828, %select_n3A_827 : i32
        %select_n3A_838 = arith.select %and3A_836, %add3A_837, %rem3A_828 : i32
        %mul3A_839 = arith.constant 16 : i32
        %mul3A_840 = arith.muli %add3A_334, %mul3A_839 : i32
        %add3A_841 = arith.addi %mul3A_840, %add3A_336 : i32
        %jit3A_842 = arith.constant 128 : i32
        %eq3A_843 = arith.constant 0 : i32
        %eq3A_844 = arith.cmpi eq, %jit3A_842, %eq3A_843 : i32
        %jit3A_845 = arith.constant 1 : i32
        %select_n3A_846 = arith.select %eq3A_844, %jit3A_845, %jit3A_842 : i32
        %rem3A_847 = arith.remsi %add3A_841, %select_n3A_846 : i32
        %ne3A_848 = arith.constant 0 : i32
        %ne3A_849 = arith.cmpi ne, %rem3A_847, %ne3A_848 : i32
        %lt3A_850 = arith.constant 0 : i32
        %lt3A_851 = arith.cmpi slt, %rem3A_847, %lt3A_850 : i32
        %lt3A_852 = arith.constant 0 : i32
        %lt3A_853 = arith.cmpi slt, %select_n3A_846, %lt3A_852 : i32
        %ne3A_854 = arith.xori %lt3A_851, %lt3A_853 : i1
        %and3A_855 = arith.andi %ne3A_854, %ne3A_849 : i1
        %add3A_856 = arith.addi %rem3A_847, %select_n3A_846 : i32
        %select_n3A_857 = arith.select %and3A_855, %add3A_856, %rem3A_847 : i32
        %ne3A_858 = arith.cmpi ne, %select_n3A_838, %select_n3A_857 : i32
        %or3A_859 = arith.constant false
        %or3A_860 = arith.ori %or3A_859, %ne3A_858 : i1
        %or3A_861 = arith.constant false
        %or3A_862 = arith.ori %or3A_860, %or3A_861 : i1
        %or3A_863 = arith.ori %or3A_862, %eq3A_294 : i1
        %add3A_864 = arith.constant 1 : i32
        %add3A_865 = arith.addi %scan3A_286, %add3A_864 : i32
        %select_n3A_866 = arith.select %or3A_863, %add3A_865, %scan3A_286 : i32
        %add3A_867 = arith.constant 1 : i32
        %add3A_868 = arith.addi %scan3A_290, %add3A_867 : i32
        %select_n3A_869 = arith.constant true
        %select_n3A_870 = arith.select %select_n3A_869, %add3A_868, %scan3A_290 : i32
        %eq3A_871 = arith.constant 16 : i32
        %eq3A_872 = arith.cmpi eq, %select_n3A_870, %eq3A_871 : i32
        %select_n3A_873 = arith.constant 0 : i32
        %select_n3A_874 = arith.select %eq3A_872, %select_n3A_873, %select_n3A_870 : i32
        %select_n3A_875 = arith.constant 0 : i32
        %select_n3A_876 = arith.constant 1 : i32
        %select_n3A_877 = arith.select %eq3A_872, %select_n3A_876, %select_n3A_875 : i32
        %eq3A_878 = arith.constant 1 : i32
        %eq3A_879 = arith.cmpi eq, %select_n3A_877, %eq3A_878 : i32
        %select_n3A_880 = arith.constant 0 : i32
        %select_n3A_881 = arith.select %eq3A_879, %select_n3A_880, %select_n3A_877 : i32
        %scan3A_882 = arith.constant 0 : i32
        scf.yield %select_n3A_374, %select_n3A_804, %select_n3A_398, %select_n3A_819, %select_n3A_454, %select_n3A_866, %select_n3A_678, %select_n3A_789, %scan3A_882, %select_n3A_874 : i32, i32, i32, i32, i32, i32, i32, i32, i32, i32
      }
      %scan3A_184 = arith.constant 16 : i32
      %sub3A = arith.constant 1 : i32
      %sub3A_185 = arith.subi %scan3A_183#9, %sub3A : i32
      %select_n3A_186 = arith.constant true
      %select_n3A_187 = arith.select %select_n3A_186, %sub3A_185, %scan3A_183#9 : i32
      %eq3A_188 = arith.constant -1 : i32
      %eq3A_189 = arith.cmpi eq, %select_n3A_187, %eq3A_188 : i32
      %select_n3A_190 = arith.constant 15 : i32
      %select_n3A_191 = arith.select %eq3A_189, %select_n3A_190, %select_n3A_187 : i32
      %sub3A_192 = arith.constant 1 : i32
      %sub3A_193 = arith.subi %scan3A_183#8, %sub3A_192 : i32
      %select_n3A_194 = arith.select %eq3A_189, %sub3A_193, %scan3A_183#8 : i32
      %eq3A_195 = arith.constant -1 : i32
      %eq3A_196 = arith.cmpi eq, %select_n3A_194, %eq3A_195 : i32
      %select_n3A_197 = arith.constant 0 : i32
      %select_n3A_198 = arith.select %eq3A_196, %select_n3A_197, %select_n3A_194 : i32
      %add3A_199 = arith.constant 0 : i32
      %add3A_200 = arith.addi %add3A_199, %mul3A_10 : i32
      %add3A_201 = arith.constant 0 : i32
      %add3A_202 = arith.addi %select_n3A_191, %add3A_201 : i32
      %sub3A_203 = arith.constant 1 : i32
      %sub3A_204 = arith.subi %select_n3A_191, %sub3A_203 : i32
      %select_n3A_205 = arith.constant true
      %select_n3A_206 = arith.select %select_n3A_205, %sub3A_204, %select_n3A_191 : i32
      %eq3A_207 = arith.constant -1 : i32
      %eq3A_208 = arith.cmpi eq, %select_n3A_206, %eq3A_207 : i32
      %select_n3A_209 = arith.constant 15 : i32
      %select_n3A_210 = arith.select %eq3A_208, %select_n3A_209, %select_n3A_206 : i32
      %select_n3A_211 = arith.constant 0 : i32
      %select_n3A_212 = arith.constant -1 : i32
      %select_n3A_213 = arith.select %eq3A_208, %select_n3A_212, %select_n3A_211 : i32
      %eq3A_214 = arith.constant -1 : i32
      %eq3A_215 = arith.cmpi eq, %select_n3A_213, %eq3A_214 : i32
      %select_n3A_216 = arith.constant 0 : i32
      %select_n3A_217 = arith.select %eq3A_215, %select_n3A_216, %select_n3A_213 : i32
      %add3A_218 = arith.constant 0 : i32
      %add3A_219 = arith.addi %add3A_218, %mul3A_10 : i32
      %add3A_220 = arith.constant 0 : i32
      %add3A_221 = arith.addi %select_n3A_210, %add3A_220 : i32
      %add3A_222 = arith.constant 1 : i32
      %add3A_223 = arith.addi %select_n3A_191, %add3A_222 : i32
      %select_n3A_224 = arith.constant true
      %select_n3A_225 = arith.select %select_n3A_224, %add3A_223, %select_n3A_191 : i32
      %eq3A_226 = arith.constant 16 : i32
      %eq3A_227 = arith.cmpi eq, %select_n3A_225, %eq3A_226 : i32
      %select_n3A_228 = arith.constant 0 : i32
      %select_n3A_229 = arith.select %eq3A_227, %select_n3A_228, %select_n3A_225 : i32
      %select_n3A_230 = arith.constant 0 : i32
      %select_n3A_231 = arith.constant 1 : i32
      %select_n3A_232 = arith.select %eq3A_227, %select_n3A_231, %select_n3A_230 : i32
      %eq3A_233 = arith.constant 1 : i32
      %eq3A_234 = arith.cmpi eq, %select_n3A_232, %eq3A_233 : i32
      %select_n3A_235 = arith.constant 0 : i32
      %select_n3A_236 = arith.select %eq3A_234, %select_n3A_235, %select_n3A_232 : i32
      %add3A_237 = arith.constant 0 : i32
      %add3A_238 = arith.addi %add3A_237, %mul3A_10 : i32
      %add3A_239 = arith.constant 0 : i32
      %add3A_240 = arith.addi %select_n3A_229, %add3A_239 : i32
      %add3A_241 = arith.constant 1 : i32
      %add3A_242 = arith.addi %select_n3A_229, %add3A_241 : i32
      %select_n3A_243 = arith.constant true
      %select_n3A_244 = arith.select %select_n3A_243, %add3A_242, %select_n3A_229 : i32
      %eq3A_245 = arith.constant 16 : i32
      %eq3A_246 = arith.cmpi eq, %select_n3A_244, %eq3A_245 : i32
      %select_n3A_247 = arith.constant 0 : i32
      %select_n3A_248 = arith.select %eq3A_246, %select_n3A_247, %select_n3A_244 : i32
      %select_n3A_249 = arith.constant 0 : i32
      %select_n3A_250 = arith.constant 1 : i32
      %select_n3A_251 = arith.select %eq3A_246, %select_n3A_250, %select_n3A_249 : i32
      %eq3A_252 = arith.constant 1 : i32
      %eq3A_253 = arith.cmpi eq, %select_n3A_251, %eq3A_252 : i32
      %select_n3A_254 = arith.constant 0 : i32
      %select_n3A_255 = arith.select %eq3A_253, %select_n3A_254, %select_n3A_251 : i32
      %add3A_256 = arith.constant 0 : i32
      %add3A_257 = arith.addi %add3A_256, %mul3A_10 : i32
      %add3A_258 = arith.constant 0 : i32
      %add3A_259 = arith.addi %select_n3A_248, %add3A_258 : i32
      "tpu.trace_start"() <{level = 10 : i32, message = "ep_finalize"}> : () -> ()
      %rem3A_260 = arith.constant 2 : i32
      %rem3A_261 = arith.remui %scan3A_183#7, %rem3A_260 : i32
      %mul3A_262 = arith.constant 16 : i32
      %mul3A_263 = arith.muli %add3A_200, %mul3A_262 : i32
      %add3A_264 = arith.addi %mul3A_263, %add3A_202 : i32
      %mul3A_265 = arith.constant 16 : i32
      %mul3A_266 = arith.muli %mul3A_265, %add3A_264 : i32
      %dma_wait3A = arith.constant 0 : i32
      %dma_wait3A_267 = arith.constant 0 : i32
      %dma_wait3A_268 = tpu.memref_slice %run_scoped3A_16[%rem3A_261, %dma_wait3A, %dma_wait3A_267] : memref<2x16x1024xf32, #tpu.memory_space<vmem>> -> memref<1x16x1024xf32, #tpu.memory_space<vmem>>
      %dma_wait3A_269 = tpu.memref_squeeze %dma_wait3A_268 : memref<1x16x1024xf32, #tpu.memory_space<vmem>> -> memref<16x1024xf32, #tpu.memory_space<vmem>>
      %dma_wait3A_270 = arith.constant 0 : i32
      %dma_wait3A_271 = tpu.memref_slice %arg6[%mul3A_266, %dma_wait3A_270] : memref<8192x1024xf32, #tpu.memory_space<hbm>> -> memref<16x1024xf32, #tpu.memory_space<hbm>>
      %dma_wait3A_272 = tpu.memref_slice %run_scoped3A_17[%rem3A_261] : memref<2x!tpu.dma_semaphore, #tpu.memory_space<semaphore_mem>> -> memref<1x!tpu.dma_semaphore, #tpu.memory_space<semaphore_mem>>
      %dma_wait3A_273 = tpu.memref_squeeze %dma_wait3A_272 : memref<1x!tpu.dma_semaphore, #tpu.memory_space<semaphore_mem>> -> memref<!tpu.dma_semaphore, #tpu.memory_space<semaphore_mem>>
      %dma_wait3A_274 = arith.constant 0 : i32
      %dma_wait3A_275 = tpu.memref_slice %arg6[%mul3A_266, %dma_wait3A_274] : memref<8192x1024xf32, #tpu.memory_space<hbm>> -> memref<16x1024xf32, #tpu.memory_space<hbm>>
      %dma_wait3A_276 = arith.constant 0 : i32
      %dma_wait3A_277 = arith.constant 0 : i32
      %dma_wait3A_278 = tpu.memref_slice %run_scoped3A_16[%rem3A_261, %dma_wait3A_276, %dma_wait3A_277] : memref<2x16x1024xf32, #tpu.memory_space<vmem>> -> memref<1x16x1024xf32, #tpu.memory_space<vmem>>
      %dma_wait3A_279 = tpu.memref_squeeze %dma_wait3A_278 : memref<1x16x1024xf32, #tpu.memory_space<vmem>> -> memref<16x1024xf32, #tpu.memory_space<vmem>>
      tpu.wait_dma2 semaphore(%dma_wait3A_273 : memref<!tpu.dma_semaphore, #tpu.memory_space<semaphore_mem>>) src(%dma_wait3A_279 : memref<16x1024xf32, #tpu.memory_space<vmem>>) dst(%dma_wait3A_275 : memref<16x1024xf32, #tpu.memory_space<hbm>>)
      "tpu.trace_stop"() : () -> ()
      tpu.yield
    }) : () -> ()
    return
  }
}

</mosaic_0001>

<sc_bundles>
// kernel: run.3.cloned.1.call-start
scs
__scs_entry_jumppad:
0x0: {  	(pc) =	sbr.rel $0x88, $3  }
0x1: {  	(tag) =	ssettag $0x0;
	lr =	simm.s32 $0x1  }
0x2: {  	[smem:$0x3F9D] =	sst lr;
	_ =	strace $0xD0000000  }
0x3: {  	_ = 	snop  }
0x4: {  	_ = 	snop  }
0x5: {  	_ = 	snop  }
0x6: {  	_ = 	snop  }
0x7: {  	_ = 	snop  }
__scs_overlays_trampoline_lowered:
0x8: {  	[smem:$0x3FAC] =	sst s0  }
0x9: {  	[smem:$0x3FAD] =	sst s1  }
0xa: {  	[smem:$0x3FAE] =	sst s2  }
0xb: {  	[smem:$0x3FAF] =	sst s3  }
0xc: {  	[smem:$0x3FB0] =	sst s4  }
0xd: {  	[smem:$0x3FB1] =	sst s5  }
0xe: {  	[smem:$0x3FB2] =	sst s6  }
0xf: {  	[smem:$0x3FB3] =	sst s7  }
0x10: {  	[smem:$0x3FB4] =	sst s8  }
0x11: {  	[smem:$0x3FB5] =	sst s9;
	s0 =	simm.s32 @!p0 $0x0  }
0x12: {  	s1 =	sld [smem:$0x3F9B];
	s0 =	simm.s32 @p0 $0x1  }
0x13: {  	[smem:$0x3FB6] =	sst s0;
	s0 =	simm.s32 @!p1 $0x0  }
0x14: {  	s2 =	sld [smem:$0x3F9A];
	s0 =	simm.s32 @p1 $0x1  }
0x15: {  	[smem:$0x3FB7] =	sst s0;
	s0 =	simm.s32 @!p2 $0x0  }
0x16: {  	s3 =	sld [smem:$0x3FDB];
	s0 =	simm.s32 @p2 $0x1  }
0x17: {  	s4 =	simm.s32 $0x1BF5;
	[smem:$0x3FB9] =	sst s0  }
0x18: {  	s0 =	sld [smem:$0x3F9C];
	_ =	swait.ge [sflag:s4], $0x0  }
0x19: {  	s7 =	sld [smem:$0x3F9D]  }
0x1a: {  	s8 =	sadd.s32 $0xFFFFE003, lr  }
0x1b: {  	s9 =	sadd.s32 $0xFFFFFEF7, lr;
	s5 =	simm.s32 $0xFFFFFFFF;
	p2 =	slt.u32 s8, $0xFFFFF086  }
0x1c: {  	p1 =	slt.u32 s9, $0xF7A;
	s5 =	simm.s32 @!p2 $0x0  }
0x1d: {  	s5 =	simm.s32 @p1 $0x1;
	p0 =	seq.s32 s7, s2  }
0x1e: {  	s7 =	smul.u32 @!p0 $0xF7A, s2;
	p2 =	seq.s32 @!p0 s5, $0x0  }
0x1f: {  	s9 =	smul.u32 $0xF7A, s1;
	s8 =	simm.s32 @!p0 $0x1BF5;
	p2 =	por !p2, p0  }
0x20: {  	[sflag:s8] =	ssyncset.s32 @!p0 $0xFFFFF086;
	s6 =	sadd.s32 @!p0 s3, s7;
	s7 =	simm.s32 @!p0 $0x108  }
0x21: {  	s3 =	sadd.s32 s3, s9;
	s6 =	sadd.s32 @!p0 $0x88, s6;
	s7 =	simm.s32 @p2 $0x1082  }
0x22: {  	[simem:s7], [sflag:s8] =	dma.local @!p0 [hbm:s6], $0xF7A  }
0x23: {  	s9 =	sor.u32 $0xD0000000, s2;
	s6 =	simm.s32 $0x108;
	_ =	swait.ge @!p0 [sflag:s8], $0x0  }
0x24: {  	s3 =	sadd.s32 $0x88, s3;
	s6 =	simm.s32 @!p1 $0x1082;
	[sflag:s4] =	ssyncset.s32 $0xFFFFF086  }
0x25: {  	[simem:s6], [sflag:s4] =	dma.local [hbm:s3], $0xF7A  }
0x26: {  	[smem:$0x3F9D] =	sst s1;
	(tag) =	ssettag s2;
	_ =	strace s9  }
0x27: {  	s1 =	sld [smem:$0x3FAD]  }
0x28: {  	s2 =	sld [smem:$0x3FAE]  }
0x29: {  	s4 =	sld [smem:$0x3FB0]  }
0x2a: {  	p0 =	seq.s32 s5, $0x0;
	s5 =	sld [smem:$0x3FB1]  }
0x2b: {  	s6 =	sld [smem:$0x3FB2]  }
0x2c: {  	s7 =	sld [smem:$0x3FB3]  }
0x2d: {  	s3 =	simm.s32 $0x108;
	s8 =	sld [smem:$0x3FB4]  }
0x2e: {  	s3 =	simm.s32 @!p0 $0x1082;
	s9 =	sld [smem:$0x3FB5]  }
0x2f: {  	lr =	sadd.s32 s0, s3;
	s0 =	sld [smem:$0x3FAC]  }
0x30: {  	s3 =	sld [smem:$0x3FAF]  }
0x31: {  	[smem:$0x3FB8] =	sst s10  }
0x32: {  	s10 =	sld [smem:$0x3FB6];
	_ =	sdelay $0x3  }
0x33: {  	p0 =	seq.s32 s10, $0x1;
	s10 =	sld [smem:$0x3FB8];
	_ =	sdelay $0x3  }
0x34: {  	[smem:$0x3FB8] =	sst s10  }
0x35: {  	s10 =	sld [smem:$0x3FB7];
	_ =	sdelay $0x3  }
0x36: {  	p1 =	seq.s32 s10, $0x1;
	s10 =	sld [smem:$0x3FB8];
	_ =	sdelay $0x3  }
0x37: {  	[smem:$0x3FB8] =	sst s10  }
0x38: {  	s10 =	sld [smem:$0x3FB9]  }
0x39: {  	_ = 	snop;
	(pc) =	sbr.ind lr, $3  }
0x3a: {  	_ = 	snop  }
0x3b: {  	_ = 	snop  }
0x3c: {  	p2 =	seq.s32 s10, $0x1;
	s10 =	sld [smem:$0x3FB8]  }
0x3d: {  	_ =	shalt  }
0x3e: {  	_ =	shalt  }
0x3f: {  	_ =	shalt  }
0x40: {  	_ =	shalt  }
0x41: {  	_ =	shalt  }
0x42: {  	_ =	shalt  }
0x43: {  	_ =	shalt  }
0x44: {  	_ =	shalt  }
0x45: {  	_ =	shalt  }
0x46: {  	_ =	shalt  }
0x47: {  	_ =	shalt  }
0x48: {  	_ =	shalt  }
0x49: {  	_ =	shalt  }
0x4a: {  	_ =	shalt  }
0x4b: {  	_ =	shalt  }
0x4c: {  	_ =	shalt  }
0x4d: {  	_ =	shalt  }
0x4e: {  	_ =	shalt  }
0x4f: {  	_ =	shalt  }
0x50: {  	_ =	shalt  }
0x51: {  	_ =	shalt  }
0x52: {  	_ =	shalt  }
0x53: {  	_ =	shalt  }
0x54: {  	_ =	shalt  }
0x55: {  	_ =	shalt  }
0x56: {  	_ =	shalt  }
0x57: {  	_ =	shalt  }
0x58: {  	_ =	shalt  }
0x59: {  	_ =	shalt  }
0x5a: {  	_ =	shalt  }
0x5b: {  	_ =	shalt  }
0x5c: {  	_ =	shalt  }
0x5d: {  	_ =	shalt  }
0x5e: {  	_ =	shalt  }
0x5f: {  	_ =	shalt  }
0x60: {  	_ =	shalt  }
0x61: {  	_ =	shalt  }
0x62: {  	_ =	shalt  }
0x63: {  	_ =	shalt  }
0x64: {  	_ =	shalt  }
0x65: {  	_ =	shalt  }
0x66: {  	_ =	shalt  }
0x67: {  	_ =	shalt  }
0x68: {  	_ =	shalt  }
0x69: {  	_ =	shalt  }
0x6a: {  	_ =	shalt  }
0x6b: {  	_ =	shalt  }
0x6c: {  	_ =	shalt  }
0x6d: {  	_ =	shalt  }
0x6e: {  	_ =	shalt  }
0x6f: {  	_ =	shalt  }
0x70: {  	_ =	shalt  }
0x71: {  	_ =	shalt  }
0x72: {  	_ =	shalt  }
0x73: {  	_ =	shalt  }
0x74: {  	_ =	shalt  }
0x75: {  	_ =	shalt  }
0x76: {  	_ =	shalt  }
0x77: {  	_ =	shalt  }
0x78: {  	_ =	shalt  }
0x79: {  	_ =	shalt  }
0x7a: {  	_ =	shalt  }
0x7b: {  	_ =	shalt  }
0x7c: {  	_ =	shalt  }
0x7d: {  	_ =	shalt  }
0x7e: {  	_ =	shalt  }
0x7f: {  	_ =	shalt  }
0x80: {  	_ =	shalt  }
0x81: {  	_ =	shalt  }
0x82: {  	_ =	shalt  }
0x83: {  	_ =	shalt  }
0x84: {  	_ =	shalt  }
0x85: {  	_ =	shalt  }
0x86: {  	_ =	shalt  }
0x87: {  	_ =	shalt  }
.Lfunc_end0:
.L_simem_size_0:
called_computation_lowered:
.L_overlay_start_0:
0x88: {  	s2 =	sld [smem:$0x3FD9]  }
0x89: {  	s3 =	sld [smem:$0x3FFE];
	_ =	sdelay $0x1  }
0x8a: {  	s1 =	srdreg.scid  }
0x8b: {  	s0 =	sand.u32 $0x1, s1  }
0x8c: {  	s17 =	sshll.u32 s0, $0xA;
	s2 =	sadd.s32 s3, s2  }
0x8d: {  	s2 =	sadd.s32 s2, s17  }
0x8e: {  	[smem:$0x3FC4] =	sst s2  }
0x8f: {  	_ = 	snop  }
0x90: {  	s2 =	sld [smem:$0x3FC9]  }
0x91: {  	s18 =	sld [smem:$0x3FC7]  }
0x92: {  	s4 =	sld [smem:$0x3FC6]  }
0x93: {  	s5 =	sld [smem:$0x3FD0];
	(tm) =	ssettm $0x1  }
0x94: {  	s6 =	sld [smem:$0x3FFB];
	_ =	sdelay $0x3  }
0x95: {  	_ =	strace s6  }
0x96: {  	s6 =	sld [smem:$0x3FFC];
	_ =	sdelay $0x3  }
0x97: {  	_ =	strace s6  }
0x98: {  	s6 =	sld [smem:$0x3FFD];
	_ =	sdelay $0x3  }
0x99: {  	_ =	strace s6  }
0x9a: {  	_ =	strace $0x8FFFFFFF  }
0x9b: {  	s19 =	sld [smem:$0x3FDB];
	_ =	sdelay $0x1  }
0x9c: {  	s7 =	simm.s32 $_scs_section_size  }
0x9d: {  	s8 =	simm.s32 $_size__tile_overlayer_lowered;
	s9 =	simm.s32 $_tile_overlayer_lowered  }
0x9e: {  	s22 =	simm.s32 $0x1BFF;
	s21 =	sshll.u32 s9, $0x1;
	s6 =	sadd.s32 s7, s19  }
0x9f: {  	s10 =	simm.s32 $0x0;
	s20 =	sshll.u32 s8, $0x1;
	s8 =	sadd.s32 s21, s6  }
0xa0: {  	[timem:s10], [sflag:s22] =	dma.local [hbm:s8], s20  }
0xa1: {  	_ =	swait.ge [sflag:s22], s20  }
0xa2: {  	s7 =	ssub.s32 $0x0, s20;
	[sflag:s22] =	ssyncset.done $0x0  }
0xa3: {  	[sflag:s22] =	ssyncadd.s32 s7;
	_ =	sdelay $0x1  }
0xa4: {  	s23 =	simm.s32 $0x1B8B  }
0xa5: {  	_ =	swait.ge [sflag:s23], $0x1  }
0xa6: {  	[sflag:s23] =	ssyncset.done $0x0  }
0xa7: {  	s25 =	simm.s32 $0x1B8E;
	s24 =	sld [smem:$0x3FFE];
	[sflag:s23] =	ssyncadd.s32 $0xFFFFFFFF  }
0xa8: {  	s26 =	simm.s32 $execute0_lowered;
	[smem:$0x3FD2] =	sst s25  }
0xa9: {  	s8 =	sshll.u32 s26, $0x1;
	_ =	strace $0x80000046;
	[dreg:$0x1] =	wrdreg $0xFFFFFFFF  }
0xaa: {  	s28 =	simm.s32 $_size_execute0_lowered;
	s6 =	sadd.s32 s6, s8;
	[dreg:$0x0] =	wrdreg $0x0  }
0xab: {  	s8 =	sshll.u32 s28, $0x1;
	[dreg:$0x2] =	wrdreg s6  }
0xac: {  	[dreg:$0x3] =	wrdreg s8  }
0xad: {  	[dreg:$0x4] =	wrdreg $0xC0  }
0xae: {  	_ =	task [dreg:s10], $0x5FFFF  }
0xaf: {  	[dreg:$0x1] =	wrdreg $0xFFFFFFFF  }
0xb0: {  	[dreg:$0x0] =	wrdreg $0x60  }
0xb1: {  	[dreg:$0x2] =	wrdreg s2  }
0xb2: {  	[dreg:$0x3] =	wrdreg s24  }
0xb3: {  	[dreg:$0x4] =	wrdreg s18  }
0xb4: {  	[dreg:$0x5] =	wrdreg s4  }
0xb5: {  	[dreg:$0x6] =	wrdreg s5  }
0xb6: {  	[dreg:$0x7] =	wrdreg $0x9  }
0xb7: {  	_ =	task.clear_ibuf [dreg:s10], $0x8FFFF;
	_ =	strace $0x90000046  }
0xb8: {  	s29 =	simm.s32 $0x9;
	_ =	strace $0x80000053  }
0xb9: {  	_ =	swait.ge [sflag:s29], $0x1  }
0xba: {  	[sflag:s29] =	ssyncadd.s32 $0xFFFFFFFF  }
0xbb: {  	_ =	strace $0x90000053  }
0xbc: {  	_ =	sfence  }
0xbd: {  	s30 =	sld [smem:$0x0];
	_ =	sdelay $0x2  }
0xbe: {  	s31 =	sshll.u32 s1, $0xD;
	s1 =	sshrl.u32 s1, $0x2  }
0xbf: {  	s3 =	sand.u32 $0x4000, s31;
	s1 =	sadd.s32 s1, s30  }
0xc0: {  	s0 =	sor.u32 s3, s0;
	s1 =	sshll.u32 s1, $0x11  }
0xc1: {  	s0 =	sor.u32 s1, s0  }
0xc2: {  	s0 =	sadd.s32 $0x8F2B, s0  }
0xc3: {  	[sflag:s0] =	ssyncadd.remote.s32 $0x1  }
0xc4: {  	_ =	sfence.sel $0xFFFF  }
0xc5: {  	[dreg:$0x0] =	wrdreg $0xFFFFFFFF;
	(pc) =	sbr.abs _section_cstart, $3  }
0xc6: {  	[dreg:$0x1] =	wrdreg $0xFFFFFFFF  }
0xc7: {  	_ =	task.clear_ibuf [dreg:s10], $0x2FFFF;
	_ =	strace $0x9FFFFFFF  }
0xc8: {  	(tm) =	ssettm $0x7FFFFFFF  }
0xc9: {  	_ =	shalt  }
tec
execute0_lowered:
.L_overlay_start_1:
0x0: {  	(tag) =	ssettag $0x1  }
0x1: {  	s1 =	rddreg [dreg:$0x0]  }
0x2: {  	s0 =	rddreg [dreg:$0x1]  }
0x3: {  	s3 =	rddreg [dreg:$0x3]  }
0x4: {  	s4 =	rddreg [dreg:$0x4];
	s2 =	srdreg.scid  }
0x5: {  	s5 =	simm.s32 $0x0;
	s8 =	stileid.u32;
	s2 =	sand.u32 $0x1, s2  }
0x6: {  	[smem:$0x7FF] =	sst s5;
	s24 =	ssub.s32 $0x2, s2;
	s2 =	sshll.u32 s2, $0x4  }
0x7: {  	s7 =	sadd.s32 $0x400, s0;
	_ =	strace $0x80000047;
	s2 =	sor.u32 s8, s2  }
0x8: {  	s6 =	sshrl.u32 s24, $0x1;
	s8 =	sshll.u32 s8, $0xF;
	s26 =	sshll.u32 s2, $0xF  }
.Ltmp0:
0x9: {  	s28 =	sshll.u32 s2, $0xC;
	s5 =	sadd.s32 s1, s26;
	(pc) =	sbr.rel .LBB2_1-.Ltmp0, $4  }
0xa: {  	s30 =	sand.u32 $0x38000, s8;
	s29 =	sadd.s32 s7, s28;
	[dreg:$0x6] =	wrdreg s5  }
0xb: {  	s25 =	ssub.s32 s24, s6;
	s31 =	sadd.s32 s3, s30;
	[dreg:$0x7] =	wrdreg s29  }
0xc: {  	s17 =	simm.s32 $0x9;
	s0 =	smax.u32 s25, $0x1;
	[dreg:$0x8] =	wrdreg s31  }
0xd: {  	s18 =	simm.s32 $0x0;
	s10 =	sshll.u32 s2, $0x4;
	[dreg:$0x9] =	wrdreg s0  }
.LBB2_14:
0xe: {  	_ =	strace $0x80000052  }
0xf: {  	_ =	swait.ge [sflag:s17], $0x4000  }
0x10: {  	s18 =	sadd.s32 $0x1, s18;
	s0 =	rddreg [dreg:$0x9]  }
0x11: {  	p0 =	sne.s32 s18, s0  }
.Ltmp1:
0x12: {  	_ = 	snop;
	(pc) =	sbr.rel @!p0 .LBB2_15-.Ltmp1, $4  }
0x13: {  	_ = 	snop  }
0x14: {  	[sflag:s17] =	ssyncset.done $0x0  }
0x15: {  	[sflag:s17] =	ssyncadd.s32 $0xFFFFC000  }
0x16: {  	_ =	strace $0x90000052  }
.LBB2_1:
0x17: {  	s0 =	rddreg [dreg:$0x2];
	s2 =	simm.s32 $0x0;
	s5 =	simm.s32 $0x1  }
0x18: {  	[tilespmem:s2], [sflag:$0x1] =	stream.linear.gather [hbm4b:s0+s2], $0x800, $0x38;
	[tilespmem:$0x1A000] =	vst v63  }
0x19: {  	_ =	swait.ge [sflag:s5], $0x800  }
0x1a: {  	s31 =	sand.u32 $0x70, s2;
	s2 =	sand.u32 $0x700, s2;
	[sflag:s5] =	ssyncset.done $0x0  }
0x1b: {  	s0 =	sor.u32 s31, s2;
	[sflag:s5] =	ssyncadd.s32 $0xFFFFF800  }
0x1c: {  	v0 =	vld [tilespmem:s0+$0x80]  }
0x1d: {  	v1 =	vld [tilespmem:s0+$0x0]  }
0x1e: {  	s6 =	simm.s32 $0x0;
	s2 =	simm.s32 $0x10  }
.LBB2_2:
0x1f: {  	s5 =	sand.u32 $0x70, s2;
	s6 =	sadd.s32 $0x20, s6;
	p0 =	sne.s32 s2, $0x3F0  }
.Ltmp2:
0x20: {  	s2 =	sadd.s32 $0x10, s2;
	s8 =	sand.u32 $0x700, s6;
	(pc) =	sbr.rel @p0 .LBB2_2-.Ltmp2, $4  }
0x21: {  	s5 =	sor.u32 s5, s8;
	v2 =	vmul.f32 $3.000000120e-01, v0  }
0x22: {  	v0 =	vld [tilespmem:s5+$0x80];
	v3 =	vmul.f32 $3.000000120e-01, v1  }
0x23: {  	v1 =	vld [tilespmem:s5+$0x0];
	[tilespmem:s0+$0x880] =	vst v2  }
0x24: {  	[tilespmem:s0+$0x800] =	vst v3;
	s0 =	smov.u32 s5  }
0x25: {  	_ =	sdelay $0x1  }
0x26: {  	v0 =	vmul.f32 $3.000000120e-01, v0  }
0x27: {  	v1 =	vmul.f32 $3.000000120e-01, v1  }
0x28: {  	s29 =	simm.s32 $0x0;
	[tilespmem:s0+$0x880] =	vst v0  }
0x29: {  	s2 =	simm.s32 $0x1000;
	s28 =	simm.s32 $0x9000;
	s31 =	simm.s32 $0xA000;
	[tilespmem:s0+$0x800] =	vst v1  }
0x2a: {  	s19 =	simm.s32 $0x0;
	s20 =	simm.s32 $0x0;
	_ =	strace $0x80000048  }
0x2b: {  	s21 =	simm.s32 $0x0;
	s22 =	simm.s32 $0x1;
	s25 =	rddreg [dreg:$0x6]  }
0x2c: {  	[tilespmem:s2], [sflag:$0x2] =	stream.linear.gather [hbm4b:s25+s29], $0x4000, $0x200038;
	[tilespmem:$0x1A000] =	vst v63  }
.Ltmp3:
0x2d: {  	s23 =	simm.s32 $0x0;
	s26 =	rddreg [dreg:$0x7];
	(pc) =	sbr.rel .LBB2_4-.Ltmp3, $4  }
0x2e: {  	[tilespmem:s28], [sflag:$0x4] =	stream.linear.gather [hbm4b:s26+s29], $0x800, $0x200038;
	[tilespmem:$0x1A000] =	vst v63  }
0x2f: {  	s24 =	simm.s32 $0x1;
	s0 =	simm.s32 $0x1;
	s30 =	rddreg [dreg:$0x8]  }
0x30: {  	[tilespmem:s31], [sflag:$0x6] =	stream.linear.gather [hbm4b:s30+s29], $0x4000, $0x200038;
	[tilespmem:$0x1A000] =	vst v63  }
0x31: {  	s25 =	simm.s32 $0x0;
	s26 =	simm.s32 $0x0;
	_ =	strace $0x90000048  }
.LBB2_13:
0x32: {  	p3 =	sne.s32 s29, s28  }
0x33: {  	p3 =	por p0, p3  }
0x34: {  	_ =	strace $0x9000004F;
	s2 =	sshll.u32 @p3 s30, $0xB  }
0x35: {  	_ =	strace @p3 $0x80000050;
	s2 =	sand.u32 @p3 $0x1FFFF800, s2  }
0x36: {  	s0 =	sor.u32 @p3 $0x8, s0;
	s5 =	simm.s32 @p3 $0x0;
	s2 =	sadd.s32 @p3 s4, s2  }
0x37: {  	[hbm4b:s2+s5] =	stream.linear.scatter @p3 [tilespmem:s6], [sflag:s0], $0x4000, $0x200038;
	[tilespmem:$0x1A000] =	vst v63  }
0x38: {  	p0 =	por p0, p1;
	s0 =	sand.u32 @!p2 $0x1, s19;
	s2 =	simm.s32 $0x1  }
0x39: {  	s5 =	simm.s32 $0x1;
	_ =	strace @p3 $0x90000050;
	s0 =	sor.u32 @!p2 $0x8, s0  }
0x3a: {  	s2 =	simm.s32 @!p3 $0x0;
	p3 =	sne.s32 s26, $0x0;
	s26 =	sadd.s32 $0x1, s26  }
0x3b: {  	s5 =	simm.s32 @!p0 $0x0;
	_ =	strace @!p2 $0x80000051;
	p0 =	sne.s32 s26, $0x10  }
.Ltmp4:
0x3c: {  	_ =	swait.ge @!p2 [sflag:s0], $0x4000;
	(pc) =	sbr.rel @!p0 .LBB2_14-.Ltmp4, $4  }
0x3d: {  	s29 =	smov.u32 s28;
	s20 =	sadd.s32 s2, s20;
	[sflag:s0] =	ssyncset.done @!p2 $0x0  }
0x3e: {  	s25 =	sadd.s32 s2, s25;
	[sflag:s0] =	ssyncadd.s32 @!p2 $0xFFFFC000;
	s0 =	simm.s32 $0x1  }
0x3f: {  	s23 =	sadd.s32 s2, s23;
	s21 =	sadd.s32 s5, s21;
	s0 =	simm.s32 @!p3 $0x0  }
0x40: {  	_ =	strace @!p2 $0x90000051;
	s19 =	sadd.s32 s0, s19;
	s0 =	smov.u32 s31  }
.LBB2_4:
0x41: {  	s28 =	sadd.s32 $0x1, s29  }
0x42: {  	p0 =	seq.s32 s28, $0x10  }
0x43: {  	s28 =	simm.s32 @p0 $0x0;
	p0 =	seq.s32 s26, $0xF  }
0x44: {  	p3 =	seq.s32 @!p0 s29, s28  }
0x45: {  	s30 =	sadd.s32 s10, s29;
	s2 =	sadd.s32 s10, s28;
	p4 =	por p3, p0  }
0x46: {  	s5 =	sand.u32 @!p4 $0x1, s0;
	_ =	strace @!p4 $0x80000049;
	s8 =	sshll.u32 @!p4 s2, $0xB  }
0x47: {  	s9 =	simm.s32 @!p4 $0x0;
	s6 =	sshll.u32 @!p4 s5, $0xE;
	s8 =	sand.u32 @!p4 $0x1FFFF800, s8  }
0x48: {  	s5 =	sor.u32 @!p4 $0x2, s5;
	s6 =	sor.u32 @!p4 $0x1000, s6;
	s8 =	sadd.s32 @!p4 s1, s8  }
0x49: {  	[tilespmem:s6], [sflag:s5] =	stream.linear.gather @!p4 [hbm4b:s8+s9], $0x4000, $0x200038;
	[tilespmem:$0x1A000] =	vst v63  }
0x4a: {  	s5 =	sand.u32 @!p4 $0x1, s24;
	s6 =	sshll.u32 @!p4 s2, $0x8;
	_ =	strace @!p4 $0x90000049  }
0x4b: {  	s8 =	sshll.u32 @!p4 s5, $0xB;
	s6 =	sand.u32 @!p4 $0x1FFFFF00, s6;
	s5 =	sor.u32 @!p4 $0x4, s5  }
0x4c: {  	_ =	strace @!p4 $0x8000004A;
	s8 =	sor.u32 @!p4 $0x9000, s8;
	s6 =	sadd.s32 @!p4 s7, s6  }
0x4d: {  	[tilespmem:s8], [sflag:s5] =	stream.linear.gather @!p4 [hbm4b:s6+s9], $0x800, $0x200038;
	[tilespmem:$0x1A000] =	vst v63  }
0x4e: {  	s2 =	sand.u32 $0x7F, s2;
	s5 =	sand.u32 $0x7F, s30  }
0x4f: {  	p2 =	sne.s32 s26, $0xF;
	p1 =	sne.s32 s5, s2  }
0x50: {  	p2 =	por !p2, !p1  }
0x51: {  	_ =	strace @!p4 $0x9000004A;
	p5 =	por !p2, !p2  }
0x52: {  	s6 =	sand.u32 @p5 $0x1, s22;
	_ =	strace @p5 $0x8000004B  }
0x53: {  	s2 =	sshll.u32 @p5 s2, $0xB;
	s9 =	simm.s32 @p5 $0x0;
	s8 =	sshll.u32 @p5 s6, $0xE  }
0x54: {  	s6 =	sor.u32 @p5 $0x6, s6;
	s2 =	sadd.s32 @p5 s3, s2;
	s8 =	sor.u32 @p5 $0xA000, s8  }
0x55: {  	[tilespmem:s8], [sflag:s6] =	stream.linear.gather @p5 [hbm4b:s2+s9], $0x4000, $0x200038;
	[tilespmem:$0x1A000] =	vst v63  }
0x56: {  	s9 =	sand.u32 $0x1, s25;
	_ =	strace @p5 $0x9000004B  }
0x57: {  	s11 =	sor.u32 $0x2, s9;
	_ =	strace $0x8000004C  }
0x58: {  	_ =	swait.ge [sflag:s11], $0x4000  }
0x59: {  	[sflag:s11] =	ssyncset.done $0x0  }
0x5a: {  	s12 =	sand.u32 $0x1, s23;
	[sflag:s11] =	ssyncadd.s32 $0xFFFFC000  }
0x5b: {  	p2 =	seq.s32 s29, $0x0;
	s8 =	sadd.s32 $0x7F, s29;
	_ =	strace $0x9000004C  }
0x5c: {  	s6 =	sor.u32 $0x4, s12;
	s8 =	simm.s32 @p2 $0xF;
	_ =	strace $0x8000004D  }
0x5d: {  	s8 =	sadd.s32 s10, s8;
	_ =	swait.ge [sflag:s6], $0x800  }
0x5e: {  	p2 =	seq.s32 s26, $0x0;
	s8 =	sand.u32 $0x7F, s8;
	[sflag:s6] =	ssyncset.done $0x0  }
0x5f: {  	p6 =	sne.s32 @!p2 s5, s8;
	[sflag:s6] =	ssyncadd.s32 $0xFFFFF800  }
0x60: {  	p6 =	por p2, p6;
	s6 =	sand.u32 $0x1, s21;
	_ =	strace $0x9000004D  }
0x61: {  	s5 =	sor.u32 @p6 $0x6, s6;
	_ =	strace @p6 $0x8000004E  }
0x62: {  	_ =	swait.ge @p6 [sflag:s5], $0x4000  }
0x63: {  	s31 =	smov.u32 s0;
	[sflag:s5] =	ssyncset.done @p6 $0x0  }
0x64: {  	p3 =	por !p3, p0;
	[sflag:s5] =	ssyncadd.s32 @p6 $0xFFFFC000;
	s5 =	sadd.s32 @!p4 $0x1, s0  }
0x65: {  	s31 =	smov.u32 @p3 s5  }
0x66: {  	s31 =	smov.u32 @p0 s0;
	s0 =	simm.s32 $0x1  }
0x67: {  	s13 =	sshll.u32 s23, $0xB;
	s2 =	sshll.u32 s9, $0xE;
	s0 =	simm.s32 @!p5 $0x0  }
0x68: {  	s6 =	sshll.u32 s6, $0xE;
	s22 =	sadd.s32 s0, s22;
	s0 =	sand.u32 $0x1, s20  }
.Ltmp5:
0x69: {  	s5 =	simm.s32 $0x0;
	s15 =	sshll.u32 s0, $0xE;
	(pc) =	sbr.rel .LBB2_5-.Ltmp5, $4  }
0x6a: {  	s11 =	sor.u32 $0xA000, s6;
	s5 =	simm.s32 @p3 $0x1;
	s6 =	sor.u32 $0x12000, s15  }
0x6b: {  	s14 =	sand.u32 $0x800, s13;
	s16 =	sor.u32 $0x1000, s2;
	s5 =	simm.s32 @p0 $0x0;
	v3 =	vmov s6  }
0x6c: {  	v2 =	vmov s11;
	_ =	strace @p6 $0x9000004E;
	s24 =	sadd.s32 s24, s5;
	s5 =	sor.u32 $0x9000, s14  }
0x6d: {  	s2 =	simm.s32 $0x0;
	v1 =	vmov s16;
	_ =	strace $0x8000004F;
	s14 =	simm.s32 $0x0;
	v0 =	vmov s5  }
.LBB2_11:
0x6e: {  	_ =	sdelay $0x1  }
0x6f: {  	s5 =	sshll.u32 s5, $0xA;
	v4 =	vadd.f32 v4, v5;
	s11 =	sadd.s32 $0x10, s11  }
0x70: {  	s11 =	sand.u32 $0x70, s11;
	s5 =	sor.u32 s15, s5  }
0x71: {  	s5 =	sor.u32 s11, s5;
	[tilespmem:v3+s8+$0x0 ss:$0x1] =	vst.idx.msk $0xffff, v4  }
0x72: {  	s16 =	sshll.u32 s9, $0x5;
	v4 =	vld.idx.msk [tilespmem:v2+s5+$0x0 ss:$0x1], $0xffff  }
0x73: {  	s8 =	sand.u32 $0x3FFFFF00, s16;
	v5 =	vld.idx.msk [tilespmem:v1+s5+$0x0 ss:$0x1], $0xffff  }
0x74: {  	s8 =	sor.u32 s11, s8  }
0x75: {  	v6 =	vld [tilespmem:s8+$0x800];
	_ =	sdelay $0x2  }
0x76: {  	v4 =	vadd.f32 v4, v5;
	_ =	sdelay $0x1  }
0x77: {  	v4 =	vadd.f32 v6, v4;
	_ =	sdelay $0x1  }
0x78: {  	[tilespmem:v3+s5+$0x0 ss:$0x1] =	vst.idx.msk $0xffff, v4  }
.LBB2_12:
0x79: {  	s14 =	sadd.s32 $0x1, s14  }
0x7a: {  	p3 =	sne.s32 s14, $0x10  }
.Ltmp6:
0x7b: {  	_ = 	snop;
	(pc) =	sbr.rel @!p3 .LBB2_13-.Ltmp6, $1  }
0x7c: {  	_ =	sdelay $0x3  }
.LBB2_5:
0x7d: {  	_ =	sdelay $0x1  }
0x7e: {  	s5 =	sshll.u32 s14, $0x7  }
0x7f: {  	s8 =	sand.u32 $0x3FFFFF80, s5  }
0x80: {  	v4 =	vld.idx.msk [tilespmem:v0+s8+$0x0 ss:$0x1], $0xffff;
	_ =	sdelay $0x4  }
0x81: {  	(xrf0) =	vmax.scan.msk.f32 $0xffff, v4;
	_ =	sdelay $0x5  }
0x82: {  	v4, _, _ =	vpop (xrf0)  }
0x83: {  	(v2sf) =	vpush v4, $0xF;
	_ =	sdelay $0xe  }
0x84: {  	s12 =	spop (v2sf)  }
0x85: {  	p3 =	sgt.f32 s12, $5.000000000e-01  }
.Ltmp7:
0x86: {  	s16 =	sand.u32 $0x8, s14;
	(pc) =	sbr.rel @!p3 .LBB2_9-.Ltmp7, $4  }
0x87: {  	s13 =	sadd.s32 $0x0, s16  }
0x88: {  	s15 =	sand.u32 $0x380, s5;
	s5 =	sshll.u32 s13, $0xA  }
0x89: {  	s11 =	sand.u32 $0x70, s2;
	s5 =	sor.u32 s15, s5  }
0x8a: {  	s8 =	sor.u32 s11, s5  }
0x8b: {  	_ =	sdelay $0x3  }
0x8c: {  	v5 =	vld.idx.msk [tilespmem:v2+s8+$0x0 ss:$0x1], $0xffff;
	s5 =	simm.s32 $0x0  }
0x8d: {  	v6 =	vld.idx.msk [tilespmem:v1+s8+$0x0 ss:$0x1], $0xffff;
	s5 =	sand.u32 $0x3FFFFF00, s5  }
0x8e: {  	s5 =	sor.u32 s11, s5  }
0x8f: {  	v4 =	vld [tilespmem:s5+$0x880];
	_ =	sdelay $0x2  }
0x90: {  	s9 =	simm.s32 $0x1;
	v5 =	vadd.f32 v5, v6  }
0x91: {  	s12 =	simm.s32 $0x2;
	s11 =	simm.s32 $0x0;
	s5 =	sadd.s32 $0x0, s16  }
.LBB2_7:
0x92: {  	p3 =	seq.s32 s12, $0x3F;
	s5 =	sshll.u32 s5, $0xA;
	v4 =	vadd.f32 v4, v5;
	s11 =	sadd.s32 $0x10, s11  }
0x93: {  	s13 =	sand.u32 $0x70, s11;
	s5 =	sor.u32 s15, s5  }
0x94: {  	[tilespmem:v3+s8+$0x0 ss:$0x1] =	vst.idx.msk $0xffff, v4;
	s8 =	sor.u32 s13, s5  }
0x95: {  	v5 =	vld.idx.msk [tilespmem:v2+s8+$0x0 ss:$0x1], $0xffff  }
0x96: {  	s5 =	sshll.u32 s9, $0x5;
	s9 =	smov.u32 s12;
	v6 =	vld.idx.msk [tilespmem:v1+s8+$0x0 ss:$0x1], $0xffff  }
0x97: {  	s5 =	sand.u32 $0x3FFFFF00, s5  }
0x98: {  	s5 =	sor.u32 s13, s5  }
.Ltmp8:
0x99: {  	v4 =	vld [tilespmem:s5+$0x880];
	(pc) =	sbr.rel @!p3 .LBB2_7-.Ltmp8, $3  }
0x9a: {  	_ =	sdelay $0x1  }
0x9b: {  	s5 =	sshrl.u32 s12, $0x3;
	v5 =	vadd.f32 v5, v6  }
0x9c: {  	s12 =	sadd.s32 $0x1, s12;
	s5 =	sadd.s32 s16, s5  }
0x9d: {  	_ =	sdelay $0x1  }
0x9e: {  	s5 =	sshll.u32 s5, $0xA;
	v4 =	vadd.f32 v4, v5;
	s11 =	sadd.s32 $0x10, s11  }
0x9f: {  	s11 =	sand.u32 $0x70, s11;
	s5 =	sor.u32 s15, s5  }
0xa0: {  	s5 =	sor.u32 s11, s5;
	[tilespmem:v3+s8+$0x0 ss:$0x1] =	vst.idx.msk $0xffff, v4  }
0xa1: {  	s16 =	sshll.u32 s9, $0x5;
	v4 =	vld.idx.msk [tilespmem:v2+s5+$0x0 ss:$0x1], $0xffff  }
0xa2: {  	s8 =	sand.u32 $0x3FFFFF00, s16;
	v5 =	vld.idx.msk [tilespmem:v1+s5+$0x0 ss:$0x1], $0xffff  }
0xa3: {  	s8 =	sor.u32 s11, s8  }
0xa4: {  	v6 =	vld [tilespmem:s8+$0x880];
	_ =	sdelay $0x2  }
.Ltmp9:
0xa5: {  	v4 =	vadd.f32 v4, v5;
	(pc) =	sbr.rel .LBB2_12-.Ltmp9, $3  }
0xa6: {  	_ = 	snop  }
0xa7: {  	v4 =	vadd.f32 v6, v4;
	_ =	sdelay $0x1  }
0xa8: {  	[tilespmem:v3+s5+$0x0 ss:$0x1] =	vst.idx.msk $0xffff, v4  }
.LBB2_9:
0xa9: {  	_ =	sdelay $0x3  }
0xaa: {  	v5 =	vld.idx.msk [tilespmem:v2+s8+$0x0 ss:$0x1], $0xffff;
	s5 =	simm.s32 $0x0  }
0xab: {  	v6 =	vld.idx.msk [tilespmem:v1+s8+$0x0 ss:$0x1], $0xffff;
	s5 =	sand.u32 $0x3FFFFF00, s5  }
0xac: {  	s5 =	sor.u32 s11, s5  }
0xad: {  	v4 =	vld [tilespmem:s5+$0x800];
	_ =	sdelay $0x2  }
0xae: {  	s9 =	simm.s32 $0x1;
	v5 =	vadd.f32 v5, v6  }
0xaf: {  	s12 =	simm.s32 $0x2;
	s11 =	simm.s32 $0x0;
	s5 =	sadd.s32 $0x0, s16  }
.LBB2_10:
0xb0: {  	p3 =	sne.s32 s12, $0x3F;
	s5 =	sshll.u32 s5, $0xA;
	v4 =	vadd.f32 v4, v5;
	s11 =	sadd.s32 $0x10, s11  }
0xb1: {  	s13 =	sand.u32 $0x70, s11;
	s5 =	sor.u32 s15, s5  }
0xb2: {  	[tilespmem:v3+s8+$0x0 ss:$0x1] =	vst.idx.msk $0xffff, v4;
	s8 =	sor.u32 s13, s5  }
0xb3: {  	v5 =	vld.idx.msk [tilespmem:v2+s8+$0x0 ss:$0x1], $0xffff  }
0xb4: {  	s5 =	sshll.u32 s9, $0x5;
	s9 =	smov.u32 s12;
	v6 =	vld.idx.msk [tilespmem:v1+s8+$0x0 ss:$0x1], $0xffff  }
0xb5: {  	s5 =	sand.u32 $0x3FFFFF00, s5  }
0xb6: {  	s5 =	sor.u32 s13, s5  }
.Ltmp10:
0xb7: {  	v4 =	vld [tilespmem:s5+$0x800];
	(pc) =	sbr.rel @p3 .LBB2_10-.Ltmp10, $3  }
0xb8: {  	_ =	sdelay $0x1  }
0xb9: {  	s5 =	sshrl.u32 s12, $0x3;
	v5 =	vadd.f32 v5, v6  }
0xba: {  	s12 =	sadd.s32 $0x1, s12;
	s5 =	sadd.s32 s16, s5  }
.Ltmp11:
0xbb: {  	_ = 	snop;
	(pc) =	sbr.rel .LBB2_11-.Ltmp11, $1  }
0xbc: {  	_ =	sdelay $0x3  }
.LBB2_15:
0xbd: {  	_ =	sfence.sel $0x180000  }
0xbe: {  	[bflag:$0x0] =	sbarrier.arrive $0xFFFF  }
0xbf: {  	_ =	strace $0x90000047  }
0xc0: {  	s0 =	stileid.u32;
	[bflag:$0x2] =	sbarrier.arrive $0xFFFF  }
0xc1: {  	p0 =	sne.s32 s0, $0x0;
	s0 =	rddreg [dreg:$0x5]  }
0xc2: {  	s0 =	sadd.s32 @!p0 $0x100000, s0  }
0xc3: {  	[sflag:s0] =	ssyncadd.tile.s32 @!p0 $0x1;
	_ =	shalt  }
.Lfunc_end2:
_tile_overlayer_lowered:
.L_overlay_start_2:
0xc4: {  	(tag) =	ssettag $0x2  }
0xc5: {  	s0 =	rddreg [dreg:$0x0];
	s2 =	stileid.u32  }
0xc6: {  	s1 =	rddreg [dreg:$0x1];
	p0 =	sne.s32 s2, $0x0  }
0xc7: {  	s3 =	rddreg [dreg:$0x2];
	[bflag:$0x3] =	sbarrier.arrive $0xFFFF;
	s2 =	simm.s32 @!p0 $0x1C02  }
0xc8: {  	[timem:s3], [sflag:s2] =	dma.local @!p0 [hbm:s0], s1  }
0xc9: {  	s0 =	simm.s32 @!p0 $0x2  }
0xca: {  	_ =	swait.ge @!p0 [sflag:s0], s1  }
0xcb: {  	s1 =	ssub.s32 @!p0 $0x0, s1;
	[sflag:s0] =	ssyncset.done @!p0 $0x0  }
0xcc: {  	[sflag:s0] =	ssyncadd.s32 @!p0 s1  }
0xcd: {  	[bflag:$0x3] =	sbarrier.arrive $0xFFFF  }
0xce: {  	_ =	shalt  }

</sc_bundles>
